<compile_context>
chip_gen: v7x
topology: tpu7x:2x2x1
jax: 0.10.2.dev20260603
libtpu: 0.0.44.dev20260713+nightly
codegen_flags: <defaults>
</compile_context>

<pallas_src>
import functools

import jax
import jax.numpy as jnp
from jax import lax
from jax.experimental import pallas as pl
from jax.experimental.pallas import tpu as pltpu
from jax.experimental.pallas import tpu_sc as plsc

B, L, DIM = 16384, 20, 128
ZCH_0, ZCH_1 = 8, 16
NBINS = ZCH_0 + ZCH_1

NC, NS, LANES = 2, 16, 16
NW = NC * NS
BPT = B // NW
GROUPS = BPT // LANES

BLK = 8192


def _hist_body(ids0_hbm, ids1_hbm, cnt0_hbm, cnt1_hbm, ids0_v, ids1_v, cnt0_v, cnt1_v):
    wid = lax.axis_index("s") * NC + lax.axis_index("c")
    base = wid * BPT

    pltpu.sync_copy(ids0_hbm.at[:, pl.ds(base, BPT)], ids0_v)
    pltpu.sync_copy(ids1_hbm.at[:, pl.ds(base, BPT)], ids1_v)

    iota = lax.iota(jnp.int32, LANES)
    zeros = jnp.zeros((LANES,), jnp.float32)
    ones = zeros + 1.0

    def zcol(i, _):
        for r in range(ZCH_0):
            cnt0_v[r, pl.ds(i * LANES, LANES)] = zeros
        for r in range(ZCH_1):
            cnt1_v[r, pl.ds(i * LANES, LANES)] = zeros
        return 0

    lax.fori_loop(0, BPT // LANES, zcol, 0)

    def group(g, _):
        lbag = g * LANES + iota
        col = g * LANES
        for l in range(L):
            g0 = ids0_v[l, pl.ds(col, LANES)]
            g1 = ids1_v[l, pl.ds(col, LANES)]
            e0 = g0 & (ZCH_0 - 1)
            e1 = g1 & (ZCH_1 - 1)
            plsc.addupdate_scatter(cnt0_v, [e0, lbag], ones)
            plsc.addupdate_scatter(cnt1_v, [e1, lbag], ones)
        return 0

    lax.fori_loop(0, GROUPS, group, 0)

    pltpu.sync_copy(cnt0_v, cnt0_hbm.at[:, pl.ds(base, BPT)])
    pltpu.sync_copy(cnt1_v, cnt1_hbm.at[:, pl.ds(base, BPT)])


@functools.lru_cache(maxsize=None)
def _hist():
    return pl.kernel(
        _hist_body,
        out_type=[
            jax.ShapeDtypeStruct((ZCH_0, B), jnp.float32),
            jax.ShapeDtypeStruct((ZCH_1, B), jnp.float32),
        ],
        mesh=plsc.VectorSubcoreMesh(
            core_axis_name="c", subcore_axis_name="s", num_cores=NC, num_subcores=NS
        ),
        compiler_params=pltpu.CompilerParams(needs_layout_passes=False),
        scratch_types=[
            pltpu.VMEM((L, BPT), jnp.int32),
            pltpu.VMEM((L, BPT), jnp.int32),
            pltpu.VMEM((ZCH_0, BPT), jnp.float32),
            pltpu.VMEM((ZCH_1, BPT), jnp.float32),
        ],
    )


def _mm_body(ct0_ref, ct1_ref, t0_ref, t1_ref, out_ref, loss_ref):
    i = pl.program_id(0)
    ct = jnp.concatenate([ct0_ref[...], ct1_ref[...]], axis=0)
    zz = jnp.zeros((ZCH_0, DIM), jnp.float32)
    w = jnp.concatenate(
        [
            jnp.concatenate([t0_ref[...], zz], axis=1),
            jnp.concatenate([jnp.zeros((ZCH_1, DIM), jnp.float32), t1_ref[...]], axis=1),
        ],
        axis=0,
    )
    ct_bf = ct.astype(jnp.bfloat16)
    w_hi = w.astype(jnp.bfloat16)
    w_lo = (w - w_hi.astype(jnp.float32)).astype(jnp.bfloat16)
    dn = (((0,), (0,)), ((), ()))
    p = lax.dot_general(ct_bf, w_hi, dn, preferred_element_type=jnp.float32)
    p = p + lax.dot_general(ct_bf, w_lo, dn, preferred_element_type=jnp.float32)
    out_ref[...] = p

    @pl.when(i == 0)
    def _():
        loss_ref[0, 0] = 0.0

    csum = jnp.sum(ct, axis=1, keepdims=True)
    wsum = jnp.sum(w, axis=1, keepdims=True)
    loss_ref[0, 0] += jnp.sum(csum * wsum)


def _pool_matmul(ct0, ct1, table_0, table_1):
    return pl.pallas_call(
        _mm_body,
        grid=(B // BLK,),
        in_specs=[
            pl.BlockSpec((ZCH_0, BLK), lambda i: (0, i)),
            pl.BlockSpec((ZCH_1, BLK), lambda i: (0, i)),
            pl.BlockSpec((ZCH_0, DIM), lambda i: (0, 0)),
            pl.BlockSpec((ZCH_1, DIM), lambda i: (0, 0)),
        ],
        out_specs=[
            pl.BlockSpec((BLK, 2 * DIM), lambda i: (i, 0)),
            pl.BlockSpec((1, 1), lambda i: (0, 0), memory_space=pltpu.SMEM),
        ],
        out_shape=[
            jax.ShapeDtypeStruct((B, 2 * DIM), jnp.float32),
            jax.ShapeDtypeStruct((1, 1), jnp.float32),
        ],
    )(ct0, ct1, table_0, table_1)


@jax.jit
def kernel(ids_0, ids_1, table_0, table_1):
    ids0_t = ids_0.astype(jnp.int32).T
    ids1_t = ids_1.astype(jnp.int32).T
    ct0, ct1 = _hist()(ids0_t, ids1_t)
    pred, loss_sum = _pool_matmul(ct0, ct1, table_0, table_1)
    loss = loss_sum[0, 0] / (B * 2 * DIM)
    return (loss, pred)

# --- scband reference (transcript-rebuilt; emitter-appended) ---
"""Pipeline reference for scband-sparse-arch-43087111913513 (READ-ONLY COPY).

The authoritative reference and input builder live on the scoring server;
editing this copy changes nothing except your own understanding.
"""

import jax, jax.numpy as jnp
import numpy as np

# SparseArch: ManagedCollisionEmbeddingBagCollection with two tables.
# MCH hash_func = remainder(input_ids, zch_size): table_0 zch_size=8, table_1 zch_size=16.
# Tables sized to max_output_id: table_0 [16,128], table_1 [32,128]. Sum-pooled
# embedding bags per feature, concat, mean loss.

B, L, DIM = 16384, 20, 128
NUM_EMB_0, NUM_EMB_1 = 16, 32
ZCH_0, ZCH_1 = 8, 16
RAW_VOCAB = 1000000


def setup_inputs(seed: int = 0) -> dict:
    key = jax.random.key(seed)
    k0, k1, k2, k3 = jax.random.split(key, 4)
    ids_0 = jax.random.randint(k0, (B, L), 0, RAW_VOCAB)
    ids_1 = jax.random.randint(k1, (B, L), 0, RAW_VOCAB)
    table_0 = jax.random.normal(k2, (NUM_EMB_0, DIM), dtype=jnp.float32) * 0.02
    table_1 = jax.random.normal(k3, (NUM_EMB_1, DIM), dtype=jnp.float32) * 0.02
    return {"ids_0": ids_0, "ids_1": ids_1, "table_0": table_0, "table_1": table_1}


def reference(ids_0, ids_1, table_0, table_1):
    # managed-collision remap (modulo hash into zch range)
    remapped_0 = jnp.remainder(ids_0, ZCH_0)
    remapped_1 = jnp.remainder(ids_1, ZCH_1)
    # embedding bag lookup + sum pooling per bag (default EBC pooling)
    emb_0 = jnp.take(table_0, remapped_0, axis=0)  # [B, L, DIM]
    emb_1 = jnp.take(table_1, remapped_1, axis=0)  # [B, L, DIM]
    pooled_0 = emb_0.sum(axis=1)  # [B, DIM]
    pooled_1 = emb_1.sum(axis=1)  # [B, DIM]
    pred = jnp.concatenate([pooled_0, pooled_1], axis=1)  # [B, 2*DIM]
    loss = pred.mean()
    return (loss, pred)

if __name__ == "__main__":
    import jax
    _d = setup_inputs()
    print(jax.jit(kernel)(*tuple(_d.values())))

</pallas_src>

<mosaic_0001>
#map = affine_map<(d0, d1) -> (0, 0)>
module attributes {stable_mosaic.version = 14 : i64} {
  func.func @_hist_body(%arg0: i32, %arg1: i32, %arg2: memref<20x16384xi32, #tpu.memory_space<hbm>>, %arg3: memref<20x16384xi32, #tpu.memory_space<hbm>>, %arg4: memref<8x16384xf32, #tpu.memory_space<hbm>>, %arg5: memref<16x16384xf32, #tpu.memory_space<hbm>>, %arg6: memref<20x512xi32, #tpu.memory_space<vmem>>, %arg7: memref<20x512xi32, #tpu.memory_space<vmem>>, %arg8: memref<8x512xf32, #tpu.memory_space<vmem>>, %arg9: memref<16x512xf32, #tpu.memory_space<vmem>>) attributes {dimension_semantics = [#tpu.dimension_semantics<core_parallel>, #tpu.dimension_semantics<subcore_parallel>], iteration_bounds = array<i64: 2, 16>, scalar_prefetch = 0 : i64, scratch_operands = 4 : i64, tpu.core_type = #tpu.core_type<sc_vector_subcore>, window_params = [{transform_indices = #map}, {transform_indices = #map}, {transform_indices = #map}, {transform_indices = #map}]} {
    %mul3A = arith.constant 2 : i32
    %mul3A_0 = arith.muli %arg1, %mul3A : i32
    %add3A = arith.addi %mul3A_0, %arg0 : i32
    %mul3A_1 = arith.constant 512 : i32
    %mul3A_2 = arith.muli %add3A, %mul3A_1 : i32
    "tpu.region"() ({
      %run_scoped3A = tpu.sem_alloc : memref<!tpu.dma_semaphore, #tpu.memory_space<semaphore_mem>>
      %dma_start3A = arith.constant 0 : i32
      %dma_start3A_20 = tpu.memref_slice %arg2[%dma_start3A, %mul3A_2] : memref<20x16384xi32, #tpu.memory_space<hbm>> -> memref<20x512xi32, #tpu.memory_space<hbm>>
      %dma_start3A_21 = arith.constant 0 : i32
      %dma_start3A_22 = tpu.memref_slice %arg2[%dma_start3A_21, %mul3A_2] : memref<20x16384xi32, #tpu.memory_space<hbm>> -> memref<20x512xi32, #tpu.memory_space<hbm>>
      tpu.enqueue_dma source(%dma_start3A_22 : memref<20x512xi32, #tpu.memory_space<hbm>>) target(%arg6 : memref<20x512xi32, #tpu.memory_space<vmem>>) target_semaphore(%run_scoped3A : memref<!tpu.dma_semaphore, #tpu.memory_space<semaphore_mem>>)
      %dma_wait3A = arith.constant 0 : i32
      %dma_wait3A_23 = tpu.memref_slice %arg2[%dma_wait3A, %mul3A_2] : memref<20x16384xi32, #tpu.memory_space<hbm>> -> memref<20x512xi32, #tpu.memory_space<hbm>>
      %dma_wait3A_24 = arith.constant 0 : i32
      %dma_wait3A_25 = tpu.memref_slice %arg2[%dma_wait3A_24, %mul3A_2] : memref<20x16384xi32, #tpu.memory_space<hbm>> -> memref<20x512xi32, #tpu.memory_space<hbm>>
      tpu.wait_dma2 semaphore(%run_scoped3A : memref<!tpu.dma_semaphore, #tpu.memory_space<semaphore_mem>>) src(%dma_wait3A_25 : memref<20x512xi32, #tpu.memory_space<hbm>>) dst(%arg6 : memref<20x512xi32, #tpu.memory_space<vmem>>)
      tpu.yield
    }) : () -> ()
    "tpu.region"() ({
      %run_scoped3A = tpu.sem_alloc : memref<!tpu.dma_semaphore, #tpu.memory_space<semaphore_mem>>
      %dma_start3A = arith.constant 0 : i32
      %dma_start3A_20 = tpu.memref_slice %arg3[%dma_start3A, %mul3A_2] : memref<20x16384xi32, #tpu.memory_space<hbm>> -> memref<20x512xi32, #tpu.memory_space<hbm>>
      %dma_start3A_21 = arith.constant 0 : i32
      %dma_start3A_22 = tpu.memref_slice %arg3[%dma_start3A_21, %mul3A_2] : memref<20x16384xi32, #tpu.memory_space<hbm>> -> memref<20x512xi32, #tpu.memory_space<hbm>>
      tpu.enqueue_dma source(%dma_start3A_22 : memref<20x512xi32, #tpu.memory_space<hbm>>) target(%arg7 : memref<20x512xi32, #tpu.memory_space<vmem>>) target_semaphore(%run_scoped3A : memref<!tpu.dma_semaphore, #tpu.memory_space<semaphore_mem>>)
      %dma_wait3A = arith.constant 0 : i32
      %dma_wait3A_23 = tpu.memref_slice %arg3[%dma_wait3A, %mul3A_2] : memref<20x16384xi32, #tpu.memory_space<hbm>> -> memref<20x512xi32, #tpu.memory_space<hbm>>
      %dma_wait3A_24 = arith.constant 0 : i32
      %dma_wait3A_25 = tpu.memref_slice %arg3[%dma_wait3A_24, %mul3A_2] : memref<20x16384xi32, #tpu.memory_space<hbm>> -> memref<20x512xi32, #tpu.memory_space<hbm>>
      tpu.wait_dma2 semaphore(%run_scoped3A : memref<!tpu.dma_semaphore, #tpu.memory_space<semaphore_mem>>) src(%dma_wait3A_25 : memref<20x512xi32, #tpu.memory_space<hbm>>) dst(%arg7 : memref<20x512xi32, #tpu.memory_space<vmem>>)
      tpu.yield
    }) : () -> ()
    %iota3A = tpu.iota {dimensions = array<i32: 0>} : vector<16xi32>
    %broadcast_in_dim3A = arith.constant 0.000000e+00 : f32
    %broadcast_in_dim3A_3 = vector.broadcast %broadcast_in_dim3A : f32 to vector<16xf32>
    %add3A_4 = arith.constant 1.000000e+00 : f32
    %add3A_5 = vector.broadcast %add3A_4 : f32 to vector<16xf32>
    %add3A_6 = arith.addf %broadcast_in_dim3A_3, %add3A_5 : vector<16xf32>
    %scan3A = arith.constant 0 : i32
    %scan3A_7 = arith.constant 0 : i32
    %scan3A_8 = arith.constant 32 : i32
    %scan3A_9 = arith.addi %scan3A_7, %scan3A_8 : i32
    %scan3A_10 = arith.constant 1 : i32
    %scan3A_11 = scf.for %scan3A_20 = %scan3A_7 to %scan3A_9 step %scan3A_10 iter_args(%scan3A_21 = %scan3A) -> (i32)  : i32 {
      %mul3A_22 = arith.constant 16 : i32
      %mul3A_23 = arith.muli %scan3A_20, %mul3A_22 : i32
      %swap3A = arith.constant 0 : i32
      %swap3A_24 = arith.index_cast %swap3A : i32 to index
      %swap3A_25 = arith.index_cast %mul3A_23 : i32 to index
      %swap3A_26 = tpu.vector_load %arg8[%swap3A_24, %swap3A_25] {strides = array<i32>} : memref<8x512xf32, #tpu.memory_space<vmem>>, vector<16xf32>,
      tpu.vector_store %arg8[%swap3A_24, %swap3A_25], %broadcast_in_dim3A_3 {strides = array<i32>} : memref<8x512xf32, #tpu.memory_space<vmem>>, vector<16xf32>,
      %mul3A_27 = arith.constant 16 : i32
      %mul3A_28 = arith.muli %scan3A_20, %mul3A_27 : i32
      %swap3A_29 = arith.constant 1 : i32
      %swap3A_30 = arith.index_cast %swap3A_29 : i32 to index
      %swap3A_31 = arith.index_cast %mul3A_28 : i32 to index
      %swap3A_32 = tpu.vector_load %arg8[%swap3A_30, %swap3A_31] {strides = array<i32>} : memref<8x512xf32, #tpu.memory_space<vmem>>, vector<16xf32>,
      tpu.vector_store %arg8[%swap3A_30, %swap3A_31], %broadcast_in_dim3A_3 {strides = array<i32>} : memref<8x512xf32, #tpu.memory_space<vmem>>, vector<16xf32>,
      %mul3A_33 = arith.constant 16 : i32
      %mul3A_34 = arith.muli %scan3A_20, %mul3A_33 : i32
      %swap3A_35 = arith.constant 2 : i32
      %swap3A_36 = arith.index_cast %swap3A_35 : i32 to index
      %swap3A_37 = arith.index_cast %mul3A_34 : i32 to index
      %swap3A_38 = tpu.vector_load %arg8[%swap3A_36, %swap3A_37] {strides = array<i32>} : memref<8x512xf32, #tpu.memory_space<vmem>>, vector<16xf32>,
      tpu.vector_store %arg8[%swap3A_36, %swap3A_37], %broadcast_in_dim3A_3 {strides = array<i32>} : memref<8x512xf32, #tpu.memory_space<vmem>>, vector<16xf32>,
      %mul3A_39 = arith.constant 16 : i32
      %mul3A_40 = arith.muli %scan3A_20, %mul3A_39 : i32
      %swap3A_41 = arith.constant 3 : i32
      %swap3A_42 = arith.index_cast %swap3A_41 : i32 to index
      %swap3A_43 = arith.index_cast %mul3A_40 : i32 to index
      %swap3A_44 = tpu.vector_load %arg8[%swap3A_42, %swap3A_43] {strides = array<i32>} : memref<8x512xf32, #tpu.memory_space<vmem>>, vector<16xf32>,
      tpu.vector_store %arg8[%swap3A_42, %swap3A_43], %broadcast_in_dim3A_3 {strides = array<i32>} : memref<8x512xf32, #tpu.memory_space<vmem>>, vector<16xf32>,
      %mul3A_45 = arith.constant 16 : i32
      %mul3A_46 = arith.muli %scan3A_20, %mul3A_45 : i32
      %swap3A_47 = arith.constant 4 : i32
      %swap3A_48 = arith.index_cast %swap3A_47 : i32 to index
      %swap3A_49 = arith.index_cast %mul3A_46 : i32 to index
      %swap3A_50 = tpu.vector_load %arg8[%swap3A_48, %swap3A_49] {strides = array<i32>} : memref<8x512xf32, #tpu.memory_space<vmem>>, vector<16xf32>,
      tpu.vector_store %arg8[%swap3A_48, %swap3A_49], %broadcast_in_dim3A_3 {strides = array<i32>} : memref<8x512xf32, #tpu.memory_space<vmem>>, vector<16xf32>,
      %mul3A_51 = arith.constant 16 : i32
      %mul3A_52 = arith.muli %scan3A_20, %mul3A_51 : i32
      %swap3A_53 = arith.constant 5 : i32
      %swap3A_54 = arith.index_cast %swap3A_53 : i32 to index
      %swap3A_55 = arith.index_cast %mul3A_52 : i32 to index
      %swap3A_56 = tpu.vector_load %arg8[%swap3A_54, %swap3A_55] {strides = array<i32>} : memref<8x512xf32, #tpu.memory_space<vmem>>, vector<16xf32>,
      tpu.vector_store %arg8[%swap3A_54, %swap3A_55], %broadcast_in_dim3A_3 {strides = array<i32>} : memref<8x512xf32, #tpu.memory_space<vmem>>, vector<16xf32>,
      %mul3A_57 = arith.constant 16 : i32
      %mul3A_58 = arith.muli %scan3A_20, %mul3A_57 : i32
      %swap3A_59 = arith.constant 6 : i32
      %swap3A_60 = arith.index_cast %swap3A_59 : i32 to index
      %swap3A_61 = arith.index_cast %mul3A_58 : i32 to index
      %swap3A_62 = tpu.vector_load %arg8[%swap3A_60, %swap3A_61] {strides = array<i32>} : memref<8x512xf32, #tpu.memory_space<vmem>>, vector<16xf32>,
      tpu.vector_store %arg8[%swap3A_60, %swap3A_61], %broadcast_in_dim3A_3 {strides = array<i32>} : memref<8x512xf32, #tpu.memory_space<vmem>>, vector<16xf32>,
      %mul3A_63 = arith.constant 16 : i32
      %mul3A_64 = arith.muli %scan3A_20, %mul3A_63 : i32
      %swap3A_65 = arith.constant 7 : i32
      %swap3A_66 = arith.index_cast %swap3A_65 : i32 to index
      %swap3A_67 = arith.index_cast %mul3A_64 : i32 to index
      %swap3A_68 = tpu.vector_load %arg8[%swap3A_66, %swap3A_67] {strides = array<i32>} : memref<8x512xf32, #tpu.memory_space<vmem>>, vector<16xf32>,
      tpu.vector_store %arg8[%swap3A_66, %swap3A_67], %broadcast_in_dim3A_3 {strides = array<i32>} : memref<8x512xf32, #tpu.memory_space<vmem>>, vector<16xf32>,
      %mul3A_69 = arith.constant 16 : i32
      %mul3A_70 = arith.muli %scan3A_20, %mul3A_69 : i32
      %swap3A_71 = arith.constant 0 : i32
      %swap3A_72 = arith.index_cast %swap3A_71 : i32 to index
      %swap3A_73 = arith.index_cast %mul3A_70 : i32 to index
      %swap3A_74 = tpu.vector_load %arg9[%swap3A_72, %swap3A_73] {strides = array<i32>} : memref<16x512xf32, #tpu.memory_space<vmem>>, vector<16xf32>,
      tpu.vector_store %arg9[%swap3A_72, %swap3A_73], %broadcast_in_dim3A_3 {strides = array<i32>} : memref<16x512xf32, #tpu.memory_space<vmem>>, vector<16xf32>,
      %mul3A_75 = arith.constant 16 : i32
      %mul3A_76 = arith.muli %scan3A_20, %mul3A_75 : i32
      %swap3A_77 = arith.constant 1 : i32
      %swap3A_78 = arith.index_cast %swap3A_77 : i32 to index
      %swap3A_79 = arith.index_cast %mul3A_76 : i32 to index
      %swap3A_80 = tpu.vector_load %arg9[%swap3A_78, %swap3A_79] {strides = array<i32>} : memref<16x512xf32, #tpu.memory_space<vmem>>, vector<16xf32>,
      tpu.vector_store %arg9[%swap3A_78, %swap3A_79], %broadcast_in_dim3A_3 {strides = array<i32>} : memref<16x512xf32, #tpu.memory_space<vmem>>, vector<16xf32>,
      %mul3A_81 = arith.constant 16 : i32
      %mul3A_82 = arith.muli %scan3A_20, %mul3A_81 : i32
      %swap3A_83 = arith.constant 2 : i32
      %swap3A_84 = arith.index_cast %swap3A_83 : i32 to index
      %swap3A_85 = arith.index_cast %mul3A_82 : i32 to index
      %swap3A_86 = tpu.vector_load %arg9[%swap3A_84, %swap3A_85] {strides = array<i32>} : memref<16x512xf32, #tpu.memory_space<vmem>>, vector<16xf32>,
      tpu.vector_store %arg9[%swap3A_84, %swap3A_85], %broadcast_in_dim3A_3 {strides = array<i32>} : memref<16x512xf32, #tpu.memory_space<vmem>>, vector<16xf32>,
      %mul3A_87 = arith.constant 16 : i32
      %mul3A_88 = arith.muli %scan3A_20, %mul3A_87 : i32
      %swap3A_89 = arith.constant 3 : i32
      %swap3A_90 = arith.index_cast %swap3A_89 : i32 to index
      %swap3A_91 = arith.index_cast %mul3A_88 : i32 to index
      %swap3A_92 = tpu.vector_load %arg9[%swap3A_90, %swap3A_91] {strides = array<i32>} : memref<16x512xf32, #tpu.memory_space<vmem>>, vector<16xf32>,
      tpu.vector_store %arg9[%swap3A_90, %swap3A_91], %broadcast_in_dim3A_3 {strides = array<i32>} : memref<16x512xf32, #tpu.memory_space<vmem>>, vector<16xf32>,
      %mul3A_93 = arith.constant 16 : i32
      %mul3A_94 = arith.muli %scan3A_20, %mul3A_93 : i32
      %swap3A_95 = arith.constant 4 : i32
      %swap3A_96 = arith.index_cast %swap3A_95 : i32 to index
      %swap3A_97 = arith.index_cast %mul3A_94 : i32 to index
      %swap3A_98 = tpu.vector_load %arg9[%swap3A_96, %swap3A_97] {strides = array<i32>} : memref<16x512xf32, #tpu.memory_space<vmem>>, vector<16xf32>,
      tpu.vector_store %arg9[%swap3A_96, %swap3A_97], %broadcast_in_dim3A_3 {strides = array<i32>} : memref<16x512xf32, #tpu.memory_space<vmem>>, vector<16xf32>,
      %mul3A_99 = arith.constant 16 : i32
      %mul3A_100 = arith.muli %scan3A_20, %mul3A_99 : i32
      %swap3A_101 = arith.constant 5 : i32
      %swap3A_102 = arith.index_cast %swap3A_101 : i32 to index
      %swap3A_103 = arith.index_cast %mul3A_100 : i32 to index
      %swap3A_104 = tpu.vector_load %arg9[%swap3A_102, %swap3A_103] {strides = array<i32>} : memref<16x512xf32, #tpu.memory_space<vmem>>, vector<16xf32>,
      tpu.vector_store %arg9[%swap3A_102, %swap3A_103], %broadcast_in_dim3A_3 {strides = array<i32>} : memref<16x512xf32, #tpu.memory_space<vmem>>, vector<16xf32>,
      %mul3A_105 = arith.constant 16 : i32
      %mul3A_106 = arith.muli %scan3A_20, %mul3A_105 : i32
      %swap3A_107 = arith.constant 6 : i32
      %swap3A_108 = arith.index_cast %swap3A_107 : i32 to index
      %swap3A_109 = arith.index_cast %mul3A_106 : i32 to index
      %swap3A_110 = tpu.vector_load %arg9[%swap3A_108, %swap3A_109] {strides = array<i32>} : memref<16x512xf32, #tpu.memory_space<vmem>>, vector<16xf32>,
      tpu.vector_store %arg9[%swap3A_108, %swap3A_109], %broadcast_in_dim3A_3 {strides = array<i32>} : memref<16x512xf32, #tpu.memory_space<vmem>>, vector<16xf32>,
      %mul3A_111 = arith.constant 16 : i32
      %mul3A_112 = arith.muli %scan3A_20, %mul3A_111 : i32
      %swap3A_113 = arith.constant 7 : i32
      %swap3A_114 = arith.index_cast %swap3A_113 : i32 to index
      %swap3A_115 = arith.index_cast %mul3A_112 : i32 to index
      %swap3A_116 = tpu.vector_load %arg9[%swap3A_114, %swap3A_115] {strides = array<i32>} : memref<16x512xf32, #tpu.memory_space<vmem>>, vector<16xf32>,
      tpu.vector_store %arg9[%swap3A_114, %swap3A_115], %broadcast_in_dim3A_3 {strides = array<i32>} : memref<16x512xf32, #tpu.memory_space<vmem>>, vector<16xf32>,
      %mul3A_117 = arith.constant 16 : i32
      %mul3A_118 = arith.muli %scan3A_20, %mul3A_117 : i32
      %swap3A_119 = arith.constant 8 : i32
      %swap3A_120 = arith.index_cast %swap3A_119 : i32 to index
      %swap3A_121 = arith.index_cast %mul3A_118 : i32 to index
      %swap3A_122 = tpu.vector_load %arg9[%swap3A_120, %swap3A_121] {strides = array<i32>} : memref<16x512xf32, #tpu.memory_space<vmem>>, vector<16xf32>,
      tpu.vector_store %arg9[%swap3A_120, %swap3A_121], %broadcast_in_dim3A_3 {strides = array<i32>} : memref<16x512xf32, #tpu.memory_space<vmem>>, vector<16xf32>,
      %mul3A_123 = arith.constant 16 : i32
      %mul3A_124 = arith.muli %scan3A_20, %mul3A_123 : i32
      %swap3A_125 = arith.constant 9 : i32
      %swap3A_126 = arith.index_cast %swap3A_125 : i32 to index
      %swap3A_127 = arith.index_cast %mul3A_124 : i32 to index
      %swap3A_128 = tpu.vector_load %arg9[%swap3A_126, %swap3A_127] {strides = array<i32>} : memref<16x512xf32, #tpu.memory_space<vmem>>, vector<16xf32>,
      tpu.vector_store %arg9[%swap3A_126, %swap3A_127], %broadcast_in_dim3A_3 {strides = array<i32>} : memref<16x512xf32, #tpu.memory_space<vmem>>, vector<16xf32>,
      %mul3A_129 = arith.constant 16 : i32
      %mul3A_130 = arith.muli %scan3A_20, %mul3A_129 : i32
      %swap3A_131 = arith.constant 10 : i32
      %swap3A_132 = arith.index_cast %swap3A_131 : i32 to index
      %swap3A_133 = arith.index_cast %mul3A_130 : i32 to index
      %swap3A_134 = tpu.vector_load %arg9[%swap3A_132, %swap3A_133] {strides = array<i32>} : memref<16x512xf32, #tpu.memory_space<vmem>>, vector<16xf32>,
      tpu.vector_store %arg9[%swap3A_132, %swap3A_133], %broadcast_in_dim3A_3 {strides = array<i32>} : memref<16x512xf32, #tpu.memory_space<vmem>>, vector<16xf32>,
      %mul3A_135 = arith.constant 16 : i32
      %mul3A_136 = arith.muli %scan3A_20, %mul3A_135 : i32
      %swap3A_137 = arith.constant 11 : i32
      %swap3A_138 = arith.index_cast %swap3A_137 : i32 to index
      %swap3A_139 = arith.index_cast %mul3A_136 : i32 to index
      %swap3A_140 = tpu.vector_load %arg9[%swap3A_138, %swap3A_139] {strides = array<i32>} : memref<16x512xf32, #tpu.memory_space<vmem>>, vector<16xf32>,
      tpu.vector_store %arg9[%swap3A_138, %swap3A_139], %broadcast_in_dim3A_3 {strides = array<i32>} : memref<16x512xf32, #tpu.memory_space<vmem>>, vector<16xf32>,
      %mul3A_141 = arith.constant 16 : i32
      %mul3A_142 = arith.muli %scan3A_20, %mul3A_141 : i32
      %swap3A_143 = arith.constant 12 : i32
      %swap3A_144 = arith.index_cast %swap3A_143 : i32 to index
      %swap3A_145 = arith.index_cast %mul3A_142 : i32 to index
      %swap3A_146 = tpu.vector_load %arg9[%swap3A_144, %swap3A_145] {strides = array<i32>} : memref<16x512xf32, #tpu.memory_space<vmem>>, vector<16xf32>,
      tpu.vector_store %arg9[%swap3A_144, %swap3A_145], %broadcast_in_dim3A_3 {strides = array<i32>} : memref<16x512xf32, #tpu.memory_space<vmem>>, vector<16xf32>,
      %mul3A_147 = arith.constant 16 : i32
      %mul3A_148 = arith.muli %scan3A_20, %mul3A_147 : i32
      %swap3A_149 = arith.constant 13 : i32
      %swap3A_150 = arith.index_cast %swap3A_149 : i32 to index
      %swap3A_151 = arith.index_cast %mul3A_148 : i32 to index
      %swap3A_152 = tpu.vector_load %arg9[%swap3A_150, %swap3A_151] {strides = array<i32>} : memref<16x512xf32, #tpu.memory_space<vmem>>, vector<16xf32>,
      tpu.vector_store %arg9[%swap3A_150, %swap3A_151], %broadcast_in_dim3A_3 {strides = array<i32>} : memref<16x512xf32, #tpu.memory_space<vmem>>, vector<16xf32>,
      %mul3A_153 = arith.constant 16 : i32
      %mul3A_154 = arith.muli %scan3A_20, %mul3A_153 : i32
      %swap3A_155 = arith.constant 14 : i32
      %swap3A_156 = arith.index_cast %swap3A_155 : i32 to index
      %swap3A_157 = arith.index_cast %mul3A_154 : i32 to index
      %swap3A_158 = tpu.vector_load %arg9[%swap3A_156, %swap3A_157] {strides = array<i32>} : memref<16x512xf32, #tpu.memory_space<vmem>>, vector<16xf32>,
      tpu.vector_store %arg9[%swap3A_156, %swap3A_157], %broadcast_in_dim3A_3 {strides = array<i32>} : memref<16x512xf32, #tpu.memory_space<vmem>>, vector<16xf32>,
      %mul3A_159 = arith.constant 16 : i32
      %mul3A_160 = arith.muli %scan3A_20, %mul3A_159 : i32
      %swap3A_161 = arith.constant 15 : i32
      %swap3A_162 = arith.index_cast %swap3A_161 : i32 to index
      %swap3A_163 = arith.index_cast %mul3A_160 : i32 to index
      %swap3A_164 = tpu.vector_load %arg9[%swap3A_162, %swap3A_163] {strides = array<i32>} : memref<16x512xf32, #tpu.memory_space<vmem>>, vector<16xf32>,
      tpu.vector_store %arg9[%swap3A_162, %swap3A_163], %broadcast_in_dim3A_3 {strides = array<i32>} : memref<16x512xf32, #tpu.memory_space<vmem>>, vector<16xf32>,
      %scan3A_165 = arith.constant 0 : i32
      scf.yield %scan3A_165 : i32
    }
    %scan3A_12 = arith.constant 32 : i32
    %scan3A_13 = arith.constant 0 : i32
    %scan3A_14 = arith.constant 0 : i32
    %scan3A_15 = arith.constant 32 : i32
    %scan3A_16 = arith.addi %scan3A_14, %scan3A_15 : i32
    %scan3A_17 = arith.constant 1 : i32
    %scan3A_18 = scf.for %scan3A_20 = %scan3A_14 to %scan3A_16 step %scan3A_17 iter_args(%scan3A_21 = %scan3A_13) -> (i32)  : i32 {
      %mul3A_22 = arith.constant 16 : i32
      %mul3A_23 = arith.muli %scan3A_20, %mul3A_22 : i32
      %add3A_24 = vector.broadcast %mul3A_23 : i32 to vector<16xi32>
      %add3A_25 = arith.addi %add3A_24, %iota3A : vector<16xi32>
      %mul3A_26 = arith.constant 16 : i32
      %mul3A_27 = arith.muli %scan3A_20, %mul3A_26 : i32
      %get3A = arith.constant 0 : i32
      %get3A_28 = arith.index_cast %get3A : i32 to index
      %get3A_29 = arith.index_cast %mul3A_27 : i32 to index
      %get3A_30 = tpu.vector_load %arg6[%get3A_28, %get3A_29] {strides = array<i32>} : memref<20x512xi32, #tpu.memory_space<vmem>>, vector<16xi32>,
      %get3A_31 = arith.constant 0 : i32
      %get3A_32 = arith.index_cast %get3A_31 : i32 to index
      %get3A_33 = arith.index_cast %mul3A_27 : i32 to index
      %get3A_34 = tpu.vector_load %arg7[%get3A_32, %get3A_33] {strides = array<i32>} : memref<20x512xi32, #tpu.memory_space<vmem>>, vector<16xi32>,
      %and3A = arith.constant 7 : i32
      %and3A_35 = vector.broadcast %and3A : i32 to vector<16xi32>
      %and3A_36 = arith.andi %get3A_30, %and3A_35 : vector<16xi32>
      %and3A_37 = arith.constant 15 : i32
      %and3A_38 = vector.broadcast %and3A_37 : i32 to vector<16xi32>
      %and3A_39 = arith.andi %get3A_34, %and3A_38 : vector<16xi32>
      tpu.vector_store_idx %arg8[%and3A_36, %add3A_25], %add3A_6 {add = true} : memref<8x512xf32, #tpu.memory_space<vmem>>[vector<16xi32>, vector<16xi32>], vector<16xf32>,
      tpu.vector_store_idx %arg9[%and3A_39, %add3A_25], %add3A_6 {add = true} : memref<16x512xf32, #tpu.memory_space<vmem>>[vector<16xi32>, vector<16xi32>], vector<16xf32>,
      %get3A_40 = arith.constant 1 : i32
      %get3A_41 = arith.index_cast %get3A_40 : i32 to index
      %get3A_42 = arith.index_cast %mul3A_27 : i32 to index
      %get3A_43 = tpu.vector_load %arg6[%get3A_41, %get3A_42] {strides = array<i32>} : memref<20x512xi32, #tpu.memory_space<vmem>>, vector<16xi32>,
      %get3A_44 = arith.constant 1 : i32
      %get3A_45 = arith.index_cast %get3A_44 : i32 to index
      %get3A_46 = arith.index_cast %mul3A_27 : i32 to index
      %get3A_47 = tpu.vector_load %arg7[%get3A_45, %get3A_46] {strides = array<i32>} : memref<20x512xi32, #tpu.memory_space<vmem>>, vector<16xi32>,
      %and3A_48 = arith.constant 7 : i32
      %and3A_49 = vector.broadcast %and3A_48 : i32 to vector<16xi32>
      %and3A_50 = arith.andi %get3A_43, %and3A_49 : vector<16xi32>
      %and3A_51 = arith.constant 15 : i32
      %and3A_52 = vector.broadcast %and3A_51 : i32 to vector<16xi32>
      %and3A_53 = arith.andi %get3A_47, %and3A_52 : vector<16xi32>
      tpu.vector_store_idx %arg8[%and3A_50, %add3A_25], %add3A_6 {add = true} : memref<8x512xf32, #tpu.memory_space<vmem>>[vector<16xi32>, vector<16xi32>], vector<16xf32>,
      tpu.vector_store_idx %arg9[%and3A_53, %add3A_25], %add3A_6 {add = true} : memref<16x512xf32, #tpu.memory_space<vmem>>[vector<16xi32>, vector<16xi32>], vector<16xf32>,
      %get3A_54 = arith.constant 2 : i32
      %get3A_55 = arith.index_cast %get3A_54 : i32 to index
      %get3A_56 = arith.index_cast %mul3A_27 : i32 to index
      %get3A_57 = tpu.vector_load %arg6[%get3A_55, %get3A_56] {strides = array<i32>} : memref<20x512xi32, #tpu.memory_space<vmem>>, vector<16xi32>,
      %get3A_58 = arith.constant 2 : i32
      %get3A_59 = arith.index_cast %get3A_58 : i32 to index
      %get3A_60 = arith.index_cast %mul3A_27 : i32 to index
      %get3A_61 = tpu.vector_load %arg7[%get3A_59, %get3A_60] {strides = array<i32>} : memref<20x512xi32, #tpu.memory_space<vmem>>, vector<16xi32>,
      %and3A_62 = arith.constant 7 : i32
      %and3A_63 = vector.broadcast %and3A_62 : i32 to vector<16xi32>
      %and3A_64 = arith.andi %get3A_57, %and3A_63 : vector<16xi32>
      %and3A_65 = arith.constant 15 : i32
      %and3A_66 = vector.broadcast %and3A_65 : i32 to vector<16xi32>
      %and3A_67 = arith.andi %get3A_61, %and3A_66 : vector<16xi32>
      tpu.vector_store_idx %arg8[%and3A_64, %add3A_25], %add3A_6 {add = true} : memref<8x512xf32, #tpu.memory_space<vmem>>[vector<16xi32>, vector<16xi32>], vector<16xf32>,
      tpu.vector_store_idx %arg9[%and3A_67, %add3A_25], %add3A_6 {add = true} : memref<16x512xf32, #tpu.memory_space<vmem>>[vector<16xi32>, vector<16xi32>], vector<16xf32>,
      %get3A_68 = arith.constant 3 : i32
      %get3A_69 = arith.index_cast %get3A_68 : i32 to index
      %get3A_70 = arith.index_cast %mul3A_27 : i32 to index
      %get3A_71 = tpu.vector_load %arg6[%get3A_69, %get3A_70] {strides = array<i32>} : memref<20x512xi32, #tpu.memory_space<vmem>>, vector<16xi32>,
      %get3A_72 = arith.constant 3 : i32
      %get3A_73 = arith.index_cast %get3A_72 : i32 to index
      %get3A_74 = arith.index_cast %mul3A_27 : i32 to index
      %get3A_75 = tpu.vector_load %arg7[%get3A_73, %get3A_74] {strides = array<i32>} : memref<20x512xi32, #tpu.memory_space<vmem>>, vector<16xi32>,
      %and3A_76 = arith.constant 7 : i32
      %and3A_77 = vector.broadcast %and3A_76 : i32 to vector<16xi32>
      %and3A_78 = arith.andi %get3A_71, %and3A_77 : vector<16xi32>
      %and3A_79 = arith.constant 15 : i32
      %and3A_80 = vector.broadcast %and3A_79 : i32 to vector<16xi32>
      %and3A_81 = arith.andi %get3A_75, %and3A_80 : vector<16xi32>
      tpu.vector_store_idx %arg8[%and3A_78, %add3A_25], %add3A_6 {add = true} : memref<8x512xf32, #tpu.memory_space<vmem>>[vector<16xi32>, vector<16xi32>], vector<16xf32>,
      tpu.vector_store_idx %arg9[%and3A_81, %add3A_25], %add3A_6 {add = true} : memref<16x512xf32, #tpu.memory_space<vmem>>[vector<16xi32>, vector<16xi32>], vector<16xf32>,
      %get3A_82 = arith.constant 4 : i32
      %get3A_83 = arith.index_cast %get3A_82 : i32 to index
      %get3A_84 = arith.index_cast %mul3A_27 : i32 to index
      %get3A_85 = tpu.vector_load %arg6[%get3A_83, %get3A_84] {strides = array<i32>} : memref<20x512xi32, #tpu.memory_space<vmem>>, vector<16xi32>,
      %get3A_86 = arith.constant 4 : i32
      %get3A_87 = arith.index_cast %get3A_86 : i32 to index
      %get3A_88 = arith.index_cast %mul3A_27 : i32 to index
      %get3A_89 = tpu.vector_load %arg7[%get3A_87, %get3A_88] {strides = array<i32>} : memref<20x512xi32, #tpu.memory_space<vmem>>, vector<16xi32>,
      %and3A_90 = arith.constant 7 : i32
      %and3A_91 = vector.broadcast %and3A_90 : i32 to vector<16xi32>
      %and3A_92 = arith.andi %get3A_85, %and3A_91 : vector<16xi32>
      %and3A_93 = arith.constant 15 : i32
      %and3A_94 = vector.broadcast %and3A_93 : i32 to vector<16xi32>
      %and3A_95 = arith.andi %get3A_89, %and3A_94 : vector<16xi32>
      tpu.vector_store_idx %arg8[%and3A_92, %add3A_25], %add3A_6 {add = true} : memref<8x512xf32, #tpu.memory_space<vmem>>[vector<16xi32>, vector<16xi32>], vector<16xf32>,
      tpu.vector_store_idx %arg9[%and3A_95, %add3A_25], %add3A_6 {add = true} : memref<16x512xf32, #tpu.memory_space<vmem>>[vector<16xi32>, vector<16xi32>], vector<16xf32>,
      %get3A_96 = arith.constant 5 : i32
      %get3A_97 = arith.index_cast %get3A_96 : i32 to index
      %get3A_98 = arith.index_cast %mul3A_27 : i32 to index
      %get3A_99 = tpu.vector_load %arg6[%get3A_97, %get3A_98] {strides = array<i32>} : memref<20x512xi32, #tpu.memory_space<vmem>>, vector<16xi32>,
      %get3A_100 = arith.constant 5 : i32
      %get3A_101 = arith.index_cast %get3A_100 : i32 to index
      %get3A_102 = arith.index_cast %mul3A_27 : i32 to index
      %get3A_103 = tpu.vector_load %arg7[%get3A_101, %get3A_102] {strides = array<i32>} : memref<20x512xi32, #tpu.memory_space<vmem>>, vector<16xi32>,
      %and3A_104 = arith.constant 7 : i32
      %and3A_105 = vector.broadcast %and3A_104 : i32 to vector<16xi32>
      %and3A_106 = arith.andi %get3A_99, %and3A_105 : vector<16xi32>
      %and3A_107 = arith.constant 15 : i32
      %and3A_108 = vector.broadcast %and3A_107 : i32 to vector<16xi32>
      %and3A_109 = arith.andi %get3A_103, %and3A_108 : vector<16xi32>
      tpu.vector_store_idx %arg8[%and3A_106, %add3A_25], %add3A_6 {add = true} : memref<8x512xf32, #tpu.memory_space<vmem>>[vector<16xi32>, vector<16xi32>], vector<16xf32>,
      tpu.vector_store_idx %arg9[%and3A_109, %add3A_25], %add3A_6 {add = true} : memref<16x512xf32, #tpu.memory_space<vmem>>[vector<16xi32>, vector<16xi32>], vector<16xf32>,
      %get3A_110 = arith.constant 6 : i32
      %get3A_111 = arith.index_cast %get3A_110 : i32 to index
      %get3A_112 = arith.index_cast %mul3A_27 : i32 to index
      %get3A_113 = tpu.vector_load %arg6[%get3A_111, %get3A_112] {strides = array<i32>} : memref<20x512xi32, #tpu.memory_space<vmem>>, vector<16xi32>,
      %get3A_114 = arith.constant 6 : i32
      %get3A_115 = arith.index_cast %get3A_114 : i32 to index
      %get3A_116 = arith.index_cast %mul3A_27 : i32 to index
      %get3A_117 = tpu.vector_load %arg7[%get3A_115, %get3A_116] {strides = array<i32>} : memref<20x512xi32, #tpu.memory_space<vmem>>, vector<16xi32>,
      %and3A_118 = arith.constant 7 : i32
      %and3A_119 = vector.broadcast %and3A_118 : i32 to vector<16xi32>
      %and3A_120 = arith.andi %get3A_113, %and3A_119 : vector<16xi32>
      %and3A_121 = arith.constant 15 : i32
      %and3A_122 = vector.broadcast %and3A_121 : i32 to vector<16xi32>
      %and3A_123 = arith.andi %get3A_117, %and3A_122 : vector<16xi32>
      tpu.vector_store_idx %arg8[%and3A_120, %add3A_25], %add3A_6 {add = true} : memref<8x512xf32, #tpu.memory_space<vmem>>[vector<16xi32>, vector<16xi32>], vector<16xf32>,
      tpu.vector_store_idx %arg9[%and3A_123, %add3A_25], %add3A_6 {add = true} : memref<16x512xf32, #tpu.memory_space<vmem>>[vector<16xi32>, vector<16xi32>], vector<16xf32>,
      %get3A_124 = arith.constant 7 : i32
      %get3A_125 = arith.index_cast %get3A_124 : i32 to index
      %get3A_126 = arith.index_cast %mul3A_27 : i32 to index
      %get3A_127 = tpu.vector_load %arg6[%get3A_125, %get3A_126] {strides = array<i32>} : memref<20x512xi32, #tpu.memory_space<vmem>>, vector<16xi32>,
      %get3A_128 = arith.constant 7 : i32
      %get3A_129 = arith.index_cast %get3A_128 : i32 to index
      %get3A_130 = arith.index_cast %mul3A_27 : i32 to index
      %get3A_131 = tpu.vector_load %arg7[%get3A_129, %get3A_130] {strides = array<i32>} : memref<20x512xi32, #tpu.memory_space<vmem>>, vector<16xi32>,
      %and3A_132 = arith.constant 7 : i32
      %and3A_133 = vector.broadcast %and3A_132 : i32 to vector<16xi32>
      %and3A_134 = arith.andi %get3A_127, %and3A_133 : vector<16xi32>
      %and3A_135 = arith.constant 15 : i32
      %and3A_136 = vector.broadcast %and3A_135 : i32 to vector<16xi32>
      %and3A_137 = arith.andi %get3A_131, %and3A_136 : vector<16xi32>
      tpu.vector_store_idx %arg8[%and3A_134, %add3A_25], %add3A_6 {add = true} : memref<8x512xf32, #tpu.memory_space<vmem>>[vector<16xi32>, vector<16xi32>], vector<16xf32>,
      tpu.vector_store_idx %arg9[%and3A_137, %add3A_25], %add3A_6 {add = true} : memref<16x512xf32, #tpu.memory_space<vmem>>[vector<16xi32>, vector<16xi32>], vector<16xf32>,
      %get3A_138 = arith.constant 8 : i32
      %get3A_139 = arith.index_cast %get3A_138 : i32 to index
      %get3A_140 = arith.index_cast %mul3A_27 : i32 to index
      %get3A_141 = tpu.vector_load %arg6[%get3A_139, %get3A_140] {strides = array<i32>} : memref<20x512xi32, #tpu.memory_space<vmem>>, vector<16xi32>,
      %get3A_142 = arith.constant 8 : i32
      %get3A_143 = arith.index_cast %get3A_142 : i32 to index
      %get3A_144 = arith.index_cast %mul3A_27 : i32 to index
      %get3A_145 = tpu.vector_load %arg7[%get3A_143, %get3A_144] {strides = array<i32>} : memref<20x512xi32, #tpu.memory_space<vmem>>, vector<16xi32>,
      %and3A_146 = arith.constant 7 : i32
      %and3A_147 = vector.broadcast %and3A_146 : i32 to vector<16xi32>
      %and3A_148 = arith.andi %get3A_141, %and3A_147 : vector<16xi32>
      %and3A_149 = arith.constant 15 : i32
      %and3A_150 = vector.broadcast %and3A_149 : i32 to vector<16xi32>
      %and3A_151 = arith.andi %get3A_145, %and3A_150 : vector<16xi32>
      tpu.vector_store_idx %arg8[%and3A_148, %add3A_25], %add3A_6 {add = true} : memref<8x512xf32, #tpu.memory_space<vmem>>[vector<16xi32>, vector<16xi32>], vector<16xf32>,
      tpu.vector_store_idx %arg9[%and3A_151, %add3A_25], %add3A_6 {add = true} : memref<16x512xf32, #tpu.memory_space<vmem>>[vector<16xi32>, vector<16xi32>], vector<16xf32>,
      %get3A_152 = arith.constant 9 : i32
      %get3A_153 = arith.index_cast %get3A_152 : i32 to index
      %get3A_154 = arith.index_cast %mul3A_27 : i32 to index
      %get3A_155 = tpu.vector_load %arg6[%get3A_153, %get3A_154] {strides = array<i32>} : memref<20x512xi32, #tpu.memory_space<vmem>>, vector<16xi32>,
      %get3A_156 = arith.constant 9 : i32
      %get3A_157 = arith.index_cast %get3A_156 : i32 to index
      %get3A_158 = arith.index_cast %mul3A_27 : i32 to index
      %get3A_159 = tpu.vector_load %arg7[%get3A_157, %get3A_158] {strides = array<i32>} : memref<20x512xi32, #tpu.memory_space<vmem>>, vector<16xi32>,
      %and3A_160 = arith.constant 7 : i32
      %and3A_161 = vector.broadcast %and3A_160 : i32 to vector<16xi32>
      %and3A_162 = arith.andi %get3A_155, %and3A_161 : vector<16xi32>
      %and3A_163 = arith.constant 15 : i32
      %and3A_164 = vector.broadcast %and3A_163 : i32 to vector<16xi32>
      %and3A_165 = arith.andi %get3A_159, %and3A_164 : vector<16xi32>
      tpu.vector_store_idx %arg8[%and3A_162, %add3A_25], %add3A_6 {add = true} : memref<8x512xf32, #tpu.memory_space<vmem>>[vector<16xi32>, vector<16xi32>], vector<16xf32>,
      tpu.vector_store_idx %arg9[%and3A_165, %add3A_25], %add3A_6 {add = true} : memref<16x512xf32, #tpu.memory_space<vmem>>[vector<16xi32>, vector<16xi32>], vector<16xf32>,
      %get3A_166 = arith.constant 10 : i32
      %get3A_167 = arith.index_cast %get3A_166 : i32 to index
      %get3A_168 = arith.index_cast %mul3A_27 : i32 to index
      %get3A_169 = tpu.vector_load %arg6[%get3A_167, %get3A_168] {strides = array<i32>} : memref<20x512xi32, #tpu.memory_space<vmem>>, vector<16xi32>,
      %get3A_170 = arith.constant 10 : i32
      %get3A_171 = arith.index_cast %get3A_170 : i32 to index
      %get3A_172 = arith.index_cast %mul3A_27 : i32 to index
      %get3A_173 = tpu.vector_load %arg7[%get3A_171, %get3A_172] {strides = array<i32>} : memref<20x512xi32, #tpu.memory_space<vmem>>, vector<16xi32>,
      %and3A_174 = arith.constant 7 : i32
      %and3A_175 = vector.broadcast %and3A_174 : i32 to vector<16xi32>
      %and3A_176 = arith.andi %get3A_169, %and3A_175 : vector<16xi32>
      %and3A_177 = arith.constant 15 : i32
      %and3A_178 = vector.broadcast %and3A_177 : i32 to vector<16xi32>
      %and3A_179 = arith.andi %get3A_173, %and3A_178 : vector<16xi32>
      tpu.vector_store_idx %arg8[%and3A_176, %add3A_25], %add3A_6 {add = true} : memref<8x512xf32, #tpu.memory_space<vmem>>[vector<16xi32>, vector<16xi32>], vector<16xf32>,
      tpu.vector_store_idx %arg9[%and3A_179, %add3A_25], %add3A_6 {add = true} : memref<16x512xf32, #tpu.memory_space<vmem>>[vector<16xi32>, vector<16xi32>], vector<16xf32>,
      %get3A_180 = arith.constant 11 : i32
      %get3A_181 = arith.index_cast %get3A_180 : i32 to index
      %get3A_182 = arith.index_cast %mul3A_27 : i32 to index
      %get3A_183 = tpu.vector_load %arg6[%get3A_181, %get3A_182] {strides = array<i32>} : memref<20x512xi32, #tpu.memory_space<vmem>>, vector<16xi32>,
      %get3A_184 = arith.constant 11 : i32
      %get3A_185 = arith.index_cast %get3A_184 : i32 to index
      %get3A_186 = arith.index_cast %mul3A_27 : i32 to index
      %get3A_187 = tpu.vector_load %arg7[%get3A_185, %get3A_186] {strides = array<i32>} : memref<20x512xi32, #tpu.memory_space<vmem>>, vector<16xi32>,
      %and3A_188 = arith.constant 7 : i32
      %and3A_189 = vector.broadcast %and3A_188 : i32 to vector<16xi32>
      %and3A_190 = arith.andi %get3A_183, %and3A_189 : vector<16xi32>
      %and3A_191 = arith.constant 15 : i32
      %and3A_192 = vector.broadcast %and3A_191 : i32 to vector<16xi32>
      %and3A_193 = arith.andi %get3A_187, %and3A_192 : vector<16xi32>
      tpu.vector_store_idx %arg8[%and3A_190, %add3A_25], %add3A_6 {add = true} : memref<8x512xf32, #tpu.memory_space<vmem>>[vector<16xi32>, vector<16xi32>], vector<16xf32>,
      tpu.vector_store_idx %arg9[%and3A_193, %add3A_25], %add3A_6 {add = true} : memref<16x512xf32, #tpu.memory_space<vmem>>[vector<16xi32>, vector<16xi32>], vector<16xf32>,
      %get3A_194 = arith.constant 12 : i32
      %get3A_195 = arith.index_cast %get3A_194 : i32 to index
      %get3A_196 = arith.index_cast %mul3A_27 : i32 to index
      %get3A_197 = tpu.vector_load %arg6[%get3A_195, %get3A_196] {strides = array<i32>} : memref<20x512xi32, #tpu.memory_space<vmem>>, vector<16xi32>,
      %get3A_198 = arith.constant 12 : i32
      %get3A_199 = arith.index_cast %get3A_198 : i32 to index
      %get3A_200 = arith.index_cast %mul3A_27 : i32 to index
      %get3A_201 = tpu.vector_load %arg7[%get3A_199, %get3A_200] {strides = array<i32>} : memref<20x512xi32, #tpu.memory_space<vmem>>, vector<16xi32>,
      %and3A_202 = arith.constant 7 : i32
      %and3A_203 = vector.broadcast %and3A_202 : i32 to vector<16xi32>
      %and3A_204 = arith.andi %get3A_197, %and3A_203 : vector<16xi32>
      %and3A_205 = arith.constant 15 : i32
      %and3A_206 = vector.broadcast %and3A_205 : i32 to vector<16xi32>
      %and3A_207 = arith.andi %get3A_201, %and3A_206 : vector<16xi32>
      tpu.vector_store_idx %arg8[%and3A_204, %add3A_25], %add3A_6 {add = true} : memref<8x512xf32, #tpu.memory_space<vmem>>[vector<16xi32>, vector<16xi32>], vector<16xf32>,
      tpu.vector_store_idx %arg9[%and3A_207, %add3A_25], %add3A_6 {add = true} : memref<16x512xf32, #tpu.memory_space<vmem>>[vector<16xi32>, vector<16xi32>], vector<16xf32>,
      %get3A_208 = arith.constant 13 : i32
      %get3A_209 = arith.index_cast %get3A_208 : i32 to index
      %get3A_210 = arith.index_cast %mul3A_27 : i32 to index
      %get3A_211 = tpu.vector_load %arg6[%get3A_209, %get3A_210] {strides = array<i32>} : memref<20x512xi32, #tpu.memory_space<vmem>>, vector<16xi32>,
      %get3A_212 = arith.constant 13 : i32
      %get3A_213 = arith.index_cast %get3A_212 : i32 to index
      %get3A_214 = arith.index_cast %mul3A_27 : i32 to index
      %get3A_215 = tpu.vector_load %arg7[%get3A_213, %get3A_214] {strides = array<i32>} : memref<20x512xi32, #tpu.memory_space<vmem>>, vector<16xi32>,
      %and3A_216 = arith.constant 7 : i32
      %and3A_217 = vector.broadcast %and3A_216 : i32 to vector<16xi32>
      %and3A_218 = arith.andi %get3A_211, %and3A_217 : vector<16xi32>
      %and3A_219 = arith.constant 15 : i32
      %and3A_220 = vector.broadcast %and3A_219 : i32 to vector<16xi32>
      %and3A_221 = arith.andi %get3A_215, %and3A_220 : vector<16xi32>
      tpu.vector_store_idx %arg8[%and3A_218, %add3A_25], %add3A_6 {add = true} : memref<8x512xf32, #tpu.memory_space<vmem>>[vector<16xi32>, vector<16xi32>], vector<16xf32>,
      tpu.vector_store_idx %arg9[%and3A_221, %add3A_25], %add3A_6 {add = true} : memref<16x512xf32, #tpu.memory_space<vmem>>[vector<16xi32>, vector<16xi32>], vector<16xf32>,
      %get3A_222 = arith.constant 14 : i32
      %get3A_223 = arith.index_cast %get3A_222 : i32 to index
      %get3A_224 = arith.index_cast %mul3A_27 : i32 to index
      %get3A_225 = tpu.vector_load %arg6[%get3A_223, %get3A_224] {strides = array<i32>} : memref<20x512xi32, #tpu.memory_space<vmem>>, vector<16xi32>,
      %get3A_226 = arith.constant 14 : i32
      %get3A_227 = arith.index_cast %get3A_226 : i32 to index
      %get3A_228 = arith.index_cast %mul3A_27 : i32 to index
      %get3A_229 = tpu.vector_load %arg7[%get3A_227, %get3A_228] {strides = array<i32>} : memref<20x512xi32, #tpu.memory_space<vmem>>, vector<16xi32>,
      %and3A_230 = arith.constant 7 : i32
      %and3A_231 = vector.broadcast %and3A_230 : i32 to vector<16xi32>
      %and3A_232 = arith.andi %get3A_225, %and3A_231 : vector<16xi32>
      %and3A_233 = arith.constant 15 : i32
      %and3A_234 = vector.broadcast %and3A_233 : i32 to vector<16xi32>
      %and3A_235 = arith.andi %get3A_229, %and3A_234 : vector<16xi32>
      tpu.vector_store_idx %arg8[%and3A_232, %add3A_25], %add3A_6 {add = true} : memref<8x512xf32, #tpu.memory_space<vmem>>[vector<16xi32>, vector<16xi32>], vector<16xf32>,
      tpu.vector_store_idx %arg9[%and3A_235, %add3A_25], %add3A_6 {add = true} : memref<16x512xf32, #tpu.memory_space<vmem>>[vector<16xi32>, vector<16xi32>], vector<16xf32>,
      %get3A_236 = arith.constant 15 : i32
      %get3A_237 = arith.index_cast %get3A_236 : i32 to index
      %get3A_238 = arith.index_cast %mul3A_27 : i32 to index
      %get3A_239 = tpu.vector_load %arg6[%get3A_237, %get3A_238] {strides = array<i32>} : memref<20x512xi32, #tpu.memory_space<vmem>>, vector<16xi32>,
      %get3A_240 = arith.constant 15 : i32
      %get3A_241 = arith.index_cast %get3A_240 : i32 to index
      %get3A_242 = arith.index_cast %mul3A_27 : i32 to index
      %get3A_243 = tpu.vector_load %arg7[%get3A_241, %get3A_242] {strides = array<i32>} : memref<20x512xi32, #tpu.memory_space<vmem>>, vector<16xi32>,
      %and3A_244 = arith.constant 7 : i32
      %and3A_245 = vector.broadcast %and3A_244 : i32 to vector<16xi32>
      %and3A_246 = arith.andi %get3A_239, %and3A_245 : vector<16xi32>
      %and3A_247 = arith.constant 15 : i32
      %and3A_248 = vector.broadcast %and3A_247 : i32 to vector<16xi32>
      %and3A_249 = arith.andi %get3A_243, %and3A_248 : vector<16xi32>
      tpu.vector_store_idx %arg8[%and3A_246, %add3A_25], %add3A_6 {add = true} : memref<8x512xf32, #tpu.memory_space<vmem>>[vector<16xi32>, vector<16xi32>], vector<16xf32>,
      tpu.vector_store_idx %arg9[%and3A_249, %add3A_25], %add3A_6 {add = true} : memref<16x512xf32, #tpu.memory_space<vmem>>[vector<16xi32>, vector<16xi32>], vector<16xf32>,
      %get3A_250 = arith.constant 16 : i32
      %get3A_251 = arith.index_cast %get3A_250 : i32 to index
      %get3A_252 = arith.index_cast %mul3A_27 : i32 to index
      %get3A_253 = tpu.vector_load %arg6[%get3A_251, %get3A_252] {strides = array<i32>} : memref<20x512xi32, #tpu.memory_space<vmem>>, vector<16xi32>,
      %get3A_254 = arith.constant 16 : i32
      %get3A_255 = arith.index_cast %get3A_254 : i32 to index
      %get3A_256 = arith.index_cast %mul3A_27 : i32 to index
      %get3A_257 = tpu.vector_load %arg7[%get3A_255, %get3A_256] {strides = array<i32>} : memref<20x512xi32, #tpu.memory_space<vmem>>, vector<16xi32>,
      %and3A_258 = arith.constant 7 : i32
      %and3A_259 = vector.broadcast %and3A_258 : i32 to vector<16xi32>
      %and3A_260 = arith.andi %get3A_253, %and3A_259 : vector<16xi32>
      %and3A_261 = arith.constant 15 : i32
      %and3A_262 = vector.broadcast %and3A_261 : i32 to vector<16xi32>
      %and3A_263 = arith.andi %get3A_257, %and3A_262 : vector<16xi32>
      tpu.vector_store_idx %arg8[%and3A_260, %add3A_25], %add3A_6 {add = true} : memref<8x512xf32, #tpu.memory_space<vmem>>[vector<16xi32>, vector<16xi32>], vector<16xf32>,
      tpu.vector_store_idx %arg9[%and3A_263, %add3A_25], %add3A_6 {add = true} : memref<16x512xf32, #tpu.memory_space<vmem>>[vector<16xi32>, vector<16xi32>], vector<16xf32>,
      %get3A_264 = arith.constant 17 : i32
      %get3A_265 = arith.index_cast %get3A_264 : i32 to index
      %get3A_266 = arith.index_cast %mul3A_27 : i32 to index
      %get3A_267 = tpu.vector_load %arg6[%get3A_265, %get3A_266] {strides = array<i32>} : memref<20x512xi32, #tpu.memory_space<vmem>>, vector<16xi32>,
      %get3A_268 = arith.constant 17 : i32
      %get3A_269 = arith.index_cast %get3A_268 : i32 to index
      %get3A_270 = arith.index_cast %mul3A_27 : i32 to index
      %get3A_271 = tpu.vector_load %arg7[%get3A_269, %get3A_270] {strides = array<i32>} : memref<20x512xi32, #tpu.memory_space<vmem>>, vector<16xi32>,
      %and3A_272 = arith.constant 7 : i32
      %and3A_273 = vector.broadcast %and3A_272 : i32 to vector<16xi32>
      %and3A_274 = arith.andi %get3A_267, %and3A_273 : vector<16xi32>
      %and3A_275 = arith.constant 15 : i32
      %and3A_276 = vector.broadcast %and3A_275 : i32 to vector<16xi32>
      %and3A_277 = arith.andi %get3A_271, %and3A_276 : vector<16xi32>
      tpu.vector_store_idx %arg8[%and3A_274, %add3A_25], %add3A_6 {add = true} : memref<8x512xf32, #tpu.memory_space<vmem>>[vector<16xi32>, vector<16xi32>], vector<16xf32>,
      tpu.vector_store_idx %arg9[%and3A_277, %add3A_25], %add3A_6 {add = true} : memref<16x512xf32, #tpu.memory_space<vmem>>[vector<16xi32>, vector<16xi32>], vector<16xf32>,
      %get3A_278 = arith.constant 18 : i32
      %get3A_279 = arith.index_cast %get3A_278 : i32 to index
      %get3A_280 = arith.index_cast %mul3A_27 : i32 to index
      %get3A_281 = tpu.vector_load %arg6[%get3A_279, %get3A_280] {strides = array<i32>} : memref<20x512xi32, #tpu.memory_space<vmem>>, vector<16xi32>,
      %get3A_282 = arith.constant 18 : i32
      %get3A_283 = arith.index_cast %get3A_282 : i32 to index
      %get3A_284 = arith.index_cast %mul3A_27 : i32 to index
      %get3A_285 = tpu.vector_load %arg7[%get3A_283, %get3A_284] {strides = array<i32>} : memref<20x512xi32, #tpu.memory_space<vmem>>, vector<16xi32>,
      %and3A_286 = arith.constant 7 : i32
      %and3A_287 = vector.broadcast %and3A_286 : i32 to vector<16xi32>
      %and3A_288 = arith.andi %get3A_281, %and3A_287 : vector<16xi32>
      %and3A_289 = arith.constant 15 : i32
      %and3A_290 = vector.broadcast %and3A_289 : i32 to vector<16xi32>
      %and3A_291 = arith.andi %get3A_285, %and3A_290 : vector<16xi32>
      tpu.vector_store_idx %arg8[%and3A_288, %add3A_25], %add3A_6 {add = true} : memref<8x512xf32, #tpu.memory_space<vmem>>[vector<16xi32>, vector<16xi32>], vector<16xf32>,
      tpu.vector_store_idx %arg9[%and3A_291, %add3A_25], %add3A_6 {add = true} : memref<16x512xf32, #tpu.memory_space<vmem>>[vector<16xi32>, vector<16xi32>], vector<16xf32>,
      %get3A_292 = arith.constant 19 : i32
      %get3A_293 = arith.index_cast %get3A_292 : i32 to index
      %get3A_294 = arith.index_cast %mul3A_27 : i32 to index
      %get3A_295 = tpu.vector_load %arg6[%get3A_293, %get3A_294] {strides = array<i32>} : memref<20x512xi32, #tpu.memory_space<vmem>>, vector<16xi32>,
      %get3A_296 = arith.constant 19 : i32
      %get3A_297 = arith.index_cast %get3A_296 : i32 to index
      %get3A_298 = arith.index_cast %mul3A_27 : i32 to index
      %get3A_299 = tpu.vector_load %arg7[%get3A_297, %get3A_298] {strides = array<i32>} : memref<20x512xi32, #tpu.memory_space<vmem>>, vector<16xi32>,
      %and3A_300 = arith.constant 7 : i32
      %and3A_301 = vector.broadcast %and3A_300 : i32 to vector<16xi32>
      %and3A_302 = arith.andi %get3A_295, %and3A_301 : vector<16xi32>
      %and3A_303 = arith.constant 15 : i32
      %and3A_304 = vector.broadcast %and3A_303 : i32 to vector<16xi32>
      %and3A_305 = arith.andi %get3A_299, %and3A_304 : vector<16xi32>
      tpu.vector_store_idx %arg8[%and3A_302, %add3A_25], %add3A_6 {add = true} : memref<8x512xf32, #tpu.memory_space<vmem>>[vector<16xi32>, vector<16xi32>], vector<16xf32>,
      tpu.vector_store_idx %arg9[%and3A_305, %add3A_25], %add3A_6 {add = true} : memref<16x512xf32, #tpu.memory_space<vmem>>[vector<16xi32>, vector<16xi32>], vector<16xf32>,
      %scan3A_306 = arith.constant 0 : i32
      scf.yield %scan3A_306 : i32
    }
    %scan3A_19 = arith.constant 32 : i32
    "tpu.region"() ({
      %run_scoped3A = tpu.sem_alloc : memref<!tpu.dma_semaphore, #tpu.memory_space<semaphore_mem>>
      %dma_start3A = arith.constant 0 : i32
      %dma_start3A_20 = tpu.memref_slice %arg4[%dma_start3A, %mul3A_2] : memref<8x16384xf32, #tpu.memory_space<hbm>> -> memref<8x512xf32, #tpu.memory_space<hbm>>
      %dma_start3A_21 = arith.constant 0 : i32
      %dma_start3A_22 = tpu.memref_slice %arg4[%dma_start3A_21, %mul3A_2] : memref<8x16384xf32, #tpu.memory_space<hbm>> -> memref<8x512xf32, #tpu.memory_space<hbm>>
      tpu.enqueue_dma source(%arg8 : memref<8x512xf32, #tpu.memory_space<vmem>>) target(%dma_start3A_22 : memref<8x512xf32, #tpu.memory_space<hbm>>) target_semaphore(%run_scoped3A : memref<!tpu.dma_semaphore, #tpu.memory_space<semaphore_mem>>)
      %dma_wait3A = arith.constant 0 : i32
      %dma_wait3A_23 = tpu.memref_slice %arg4[%dma_wait3A, %mul3A_2] : memref<8x16384xf32, #tpu.memory_space<hbm>> -> memref<8x512xf32, #tpu.memory_space<hbm>>
      %dma_wait3A_24 = arith.constant 0 : i32
      %dma_wait3A_25 = tpu.memref_slice %arg4[%dma_wait3A_24, %mul3A_2] : memref<8x16384xf32, #tpu.memory_space<hbm>> -> memref<8x512xf32, #tpu.memory_space<hbm>>
      tpu.wait_dma2 semaphore(%run_scoped3A : memref<!tpu.dma_semaphore, #tpu.memory_space<semaphore_mem>>) src(%arg8 : memref<8x512xf32, #tpu.memory_space<vmem>>) dst(%dma_wait3A_25 : memref<8x512xf32, #tpu.memory_space<hbm>>)
      tpu.yield
    }) : () -> ()
    "tpu.region"() ({
      %run_scoped3A = tpu.sem_alloc : memref<!tpu.dma_semaphore, #tpu.memory_space<semaphore_mem>>
      %dma_start3A = arith.constant 0 : i32
      %dma_start3A_20 = tpu.memref_slice %arg5[%dma_start3A, %mul3A_2] : memref<16x16384xf32, #tpu.memory_space<hbm>> -> memref<16x512xf32, #tpu.memory_space<hbm>>
      %dma_start3A_21 = arith.constant 0 : i32
      %dma_start3A_22 = tpu.memref_slice %arg5[%dma_start3A_21, %mul3A_2] : memref<16x16384xf32, #tpu.memory_space<hbm>> -> memref<16x512xf32, #tpu.memory_space<hbm>>
      tpu.enqueue_dma source(%arg9 : memref<16x512xf32, #tpu.memory_space<vmem>>) target(%dma_start3A_22 : memref<16x512xf32, #tpu.memory_space<hbm>>) target_semaphore(%run_scoped3A : memref<!tpu.dma_semaphore, #tpu.memory_space<semaphore_mem>>)
      %dma_wait3A = arith.constant 0 : i32
      %dma_wait3A_23 = tpu.memref_slice %arg5[%dma_wait3A, %mul3A_2] : memref<16x16384xf32, #tpu.memory_space<hbm>> -> memref<16x512xf32, #tpu.memory_space<hbm>>
      %dma_wait3A_24 = arith.constant 0 : i32
      %dma_wait3A_25 = tpu.memref_slice %arg5[%dma_wait3A_24, %mul3A_2] : memref<16x16384xf32, #tpu.memory_space<hbm>> -> memref<16x512xf32, #tpu.memory_space<hbm>>
      tpu.wait_dma2 semaphore(%run_scoped3A : memref<!tpu.dma_semaphore, #tpu.memory_space<semaphore_mem>>) src(%arg9 : memref<16x512xf32, #tpu.memory_space<vmem>>) dst(%dma_wait3A_25 : memref<16x512xf32, #tpu.memory_space<hbm>>)
      tpu.yield
    }) : () -> ()
    return
  }
}

module attributes {stable_mosaic.version = 14 : i64} {
  func.func @_mm_body(%arg0: i32, %arg1: memref<8x8192xf32, #tpu.memory_space<vmem>>, %arg2: memref<16x8192xf32, #tpu.memory_space<vmem>>, %arg3: memref<8x128xf32, #tpu.memory_space<vmem>>, %arg4: memref<16x128xf32, #tpu.memory_space<vmem>>, %arg5: memref<8192x256xf32, #tpu.memory_space<vmem>>, %arg6: memref<1x1xf32, #tpu.memory_space<smem>>) attributes {dimension_semantics = [#tpu.dimension_semantics<arbitrary>], iteration_bounds = array<i64: 2>, scalar_prefetch = 0 : i64, scratch_operands = 0 : i64, tpu.core_type = #tpu.core_type<tc>, window_params = [{transform_indices = @transform_0, window_bounds = array<i64: 8, 8192>}, {transform_indices = @transform_1, window_bounds = array<i64: 16, 8192>}, {transform_indices = @transform_2, window_bounds = array<i64: 8, 128>}, {transform_indices = @transform_3, window_bounds = array<i64: 16, 128>}, {transform_indices = @transform_4, window_bounds = array<i64: 8192, 256>}, {transform_indices = @transform_5, window_bounds = array<i64: 1, 1>}]} {
    %get3A = arith.constant 0 : index
    %get3A_0 = arith.constant 0 : index
    %get3A_1 = vector.load %arg1[%get3A, %get3A_0] : memref<8x8192xf32, #tpu.memory_space<vmem>>, vector<8x8192xf32>
    %get3A_2 = arith.constant 0 : index
    %get3A_3 = arith.constant 0 : index
    %get3A_4 = vector.load %arg2[%get3A_2, %get3A_3] : memref<16x8192xf32, #tpu.memory_space<vmem>>, vector<16x8192xf32>
    %concatenate3A = tpu.concatenate %get3A_1, %get3A_4 in 0 : vector<8x8192xf32>, vector<16x8192xf32> -> vector<24x8192xf32>
    %broadcast_in_dim3A = arith.constant 0.000000e+00 : f32
    %broadcast_in_dim3A_5 = vector.broadcast %broadcast_in_dim3A : f32 to vector<8x128xf32>
    %get3A_6 = arith.constant 0 : index
    %get3A_7 = arith.constant 0 : index
    %get3A_8 = vector.load %arg3[%get3A_6, %get3A_7] : memref<8x128xf32, #tpu.memory_space<vmem>>, vector<8x128xf32>
    %concatenate3A_9 = tpu.concatenate %get3A_8, %broadcast_in_dim3A_5 in 1 : vector<8x128xf32>, vector<8x128xf32> -> vector<8x256xf32>
    %broadcast_in_dim3A_10 = arith.constant 0.000000e+00 : f32
    %broadcast_in_dim3A_11 = vector.broadcast %broadcast_in_dim3A_10 : f32 to vector<16x128xf32>
    %get3A_12 = arith.constant 0 : index
    %get3A_13 = arith.constant 0 : index
    %get3A_14 = vector.load %arg4[%get3A_12, %get3A_13] : memref<16x128xf32, #tpu.memory_space<vmem>>, vector<16x128xf32>
    %concatenate3A_15 = tpu.concatenate %broadcast_in_dim3A_11, %get3A_14 in 1 : vector<16x128xf32>, vector<16x128xf32> -> vector<16x256xf32>
    %concatenate3A_16 = tpu.concatenate %concatenate3A_9, %concatenate3A_15 in 0 : vector<8x256xf32>, vector<16x256xf32> -> vector<24x256xf32>
    %convert_element_type3A = arith.truncf %concatenate3A : vector<24x8192xf32> to vector<24x8192xbf16>
    %convert_element_type3A_17 = arith.truncf %concatenate3A_16 : vector<24x256xf32> to vector<24x256xbf16>
    %convert_element_type3A_18 = arith.extf %convert_element_type3A_17 : vector<24x256xbf16> to vector<24x256xf32>
    %sub3A = arith.subf %concatenate3A_16, %convert_element_type3A_18 : vector<24x256xf32>
    %convert_element_type3A_19 = arith.truncf %sub3A : vector<24x256xf32> to vector<24x256xbf16>
    %dot_general3A = arith.constant dense<0.000000e+00> : vector<8192x256xf32>
    %dot_general3A_20 = tpu.matmul %convert_element_type3A, %convert_element_type3A_17, %dot_general3A {dimension_numbers = #tpu.dot_dimension_numbers<[0], [0], [1], [1], [0, 1, 1, 1], [], []>, transpose_lhs_hint = false} : vector<24x8192xbf16>, vector<24x256xbf16>, vector<8192x256xf32> -> vector<8192x256xf32>
    %dot_general3A_21 = arith.constant dense<0.000000e+00> : vector<8192x256xf32>
    %dot_general3A_22 = tpu.matmul %convert_element_type3A, %convert_element_type3A_19, %dot_general3A_21 {dimension_numbers = #tpu.dot_dimension_numbers<[0], [0], [1], [1], [0, 1, 1, 1], [], []>, transpose_lhs_hint = false} : vector<24x8192xbf16>, vector<24x256xbf16>, vector<8192x256xf32> -> vector<8192x256xf32>
    %add3A = arith.addf %dot_general3A_20, %dot_general3A_22 : vector<8192x256xf32>
    %swap3A = arith.constant 0 : index
    %swap3A_23 = arith.constant 0 : index
    %swap3A_24 = vector.load %arg5[%swap3A, %swap3A_23] : memref<8192x256xf32, #tpu.memory_space<vmem>>, vector<8192x256xf32>
    tpu.vector_store %arg5[%swap3A, %swap3A_23], %add3A {strides = array<i32>} : memref<8192x256xf32, #tpu.memory_space<vmem>>, vector<8192x256xf32>,
    %eq3A = arith.constant 0 : i32
    %eq3A_25 = arith.cmpi eq, %arg0, %eq3A : i32
    %convert_element_type3A_26 = arith.extui %eq3A_25 : i1 to i32
    %cond3A = arith.constant 0 : i32
    %cond3A_27 = arith.cmpi ne, %convert_element_type3A_26, %cond3A : i32
    scf.if %cond3A_27 {
      %swap3A_45 = arith.constant 0.000000e+00 : f32
      %swap3A_46 = arith.constant 0 : index
      %swap3A_47 = arith.constant 0 : index
      %swap3A_48 = memref.load %arg6[%swap3A_46, %swap3A_47] : memref<1x1xf32, #tpu.memory_space<smem>>
      memref.store %swap3A_45, %arg6[%swap3A_46, %swap3A_47] : memref<1x1xf32, #tpu.memory_space<smem>>
    } else {
    }
    %reduce_sum3A = arith.constant dense<0.000000e+00> : vector<24xf32>
    %reduce_sum3A_28 = vector.multi_reduction <add>, %concatenate3A, %reduce_sum3A [1] : vector<24x8192xf32> to vector<24xf32>
    %broadcast_in_dim3A_29 = vector.shape_cast %reduce_sum3A_28 : vector<24xf32> to vector<24x1xf32>
    %reduce_sum3A_30 = arith.constant dense<0.000000e+00> : vector<24xf32>
    %reduce_sum3A_31 = vector.multi_reduction <add>, %concatenate3A_16, %reduce_sum3A_30 [1] : vector<24x256xf32> to vector<24xf32>
    %broadcast_in_dim3A_32 = vector.shape_cast %reduce_sum3A_31 : vector<24xf32> to vector<24x1xf32>
    %get3A_33 = arith.constant 0 : index
    %get3A_34 = arith.constant 0 : index
    %get3A_35 = memref.load %arg6[%get3A_33, %get3A_34] : memref<1x1xf32, #tpu.memory_space<smem>>
    %mul3A = arith.mulf %broadcast_in_dim3A_29, %broadcast_in_dim3A_32 : vector<24x1xf32>
    %reduce_sum3A_36 = vector.shape_cast %mul3A : vector<24x1xf32> to vector<1x24x1xf32>
    %reduce_sum3A_37 = arith.constant dense<0.000000e+00> : vector<1xf32>
    %reduce_sum3A_38 = vector.multi_reduction <add>, %reduce_sum3A_36, %reduce_sum3A_37 [1, 2] : vector<1x24x1xf32> to vector<1xf32>
    %reduce_sum3A_39 = vector.shape_cast %reduce_sum3A_38 : vector<1xf32> to vector<1x1x1xf32>
    %reduce_sum3A_40 = vector.extract %reduce_sum3A_39[0, 0, 0] : f32 from vector<1x1x1xf32>
    %add3A_41 = arith.addf %get3A_35, %reduce_sum3A_40 : f32
    %swap3A_42 = arith.constant 0 : index
    %swap3A_43 = arith.constant 0 : index
    %swap3A_44 = memref.load %arg6[%swap3A_42, %swap3A_43] : memref<1x1xf32, #tpu.memory_space<smem>>
    memref.store %add3A_41, %arg6[%swap3A_42, %swap3A_43] : memref<1x1xf32, #tpu.memory_space<smem>>
    return
  }
  func.func @transform_0(%arg0: i32) -> (i32, i32) {
    %c0_i32 = arith.constant 0 : i32
    %c0_i32_0 = arith.constant 0 : i32
    return %c0_i32, %arg0 : i32, i32
  }
  func.func @transform_1(%arg0: i32) -> (i32, i32) {
    %c0_i32 = arith.constant 0 : i32
    %c0_i32_0 = arith.constant 0 : i32
    return %c0_i32, %arg0 : i32, i32
  }
  func.func @transform_2(%arg0: i32) -> (i32, i32) {
    %c0_i32 = arith.constant 0 : i32
    %c0_i32_0 = arith.constant 0 : i32
    %c0_i32_1 = arith.constant 0 : i32
    return %c0_i32, %c0_i32_0 : i32, i32
  }
  func.func @transform_3(%arg0: i32) -> (i32, i32) {
    %c0_i32 = arith.constant 0 : i32
    %c0_i32_0 = arith.constant 0 : i32
    %c0_i32_1 = arith.constant 0 : i32
    return %c0_i32, %c0_i32_0 : i32, i32
  }
  func.func @transform_4(%arg0: i32) -> (i32, i32) {
    %c0_i32 = arith.constant 0 : i32
    %c0_i32_0 = arith.constant 0 : i32
    return %arg0, %c0_i32 : i32, i32
  }
  func.func @transform_5(%arg0: i32) -> (i32, i32) {
    %c0_i32 = arith.constant 0 : i32
    %c0_i32_0 = arith.constant 0 : i32
    %c0_i32_1 = arith.constant 0 : i32
    return %c0_i32, %c0_i32_0 : i32, i32
  }
}

</mosaic_0001>

<sc_bundles>
// kernel: kernel.4.cloned.1.call-start
scs
__scs_entry_jumppad:
0x0: {  	(pc) =	sbr.rel $0x88, $3  }
0x1: {  	(tag) =	ssettag $0x0;
	lr =	simm.s32 $0x1  }
0x2: {  	[smem:$0x3F9D] =	sst lr;
	_ =	strace $0xD0000000  }
0x3: {  	_ = 	snop  }
0x4: {  	_ = 	snop  }
0x5: {  	_ = 	snop  }
0x6: {  	_ = 	snop  }
0x7: {  	_ = 	snop  }
__scs_overlays_trampoline_lowered:
0x8: {  	[smem:$0x3FAC] =	sst s0  }
0x9: {  	[smem:$0x3FAD] =	sst s1  }
0xa: {  	[smem:$0x3FAE] =	sst s2  }
0xb: {  	[smem:$0x3FAF] =	sst s3  }
0xc: {  	[smem:$0x3FB0] =	sst s4  }
0xd: {  	[smem:$0x3FB1] =	sst s5  }
0xe: {  	[smem:$0x3FB2] =	sst s6  }
0xf: {  	[smem:$0x3FB3] =	sst s7  }
0x10: {  	[smem:$0x3FB4] =	sst s8  }
0x11: {  	[smem:$0x3FB5] =	sst s9;
	s0 =	simm.s32 @!p0 $0x0  }
0x12: {  	s1 =	sld [smem:$0x3F9B];
	s0 =	simm.s32 @p0 $0x1  }
0x13: {  	[smem:$0x3FB6] =	sst s0;
	s0 =	simm.s32 @!p1 $0x0  }
0x14: {  	s2 =	sld [smem:$0x3F9A];
	s0 =	simm.s32 @p1 $0x1  }
0x15: {  	[smem:$0x3FB7] =	sst s0;
	s0 =	simm.s32 @!p2 $0x0  }
0x16: {  	s3 =	sld [smem:$0x3FDB];
	s0 =	simm.s32 @p2 $0x1  }
0x17: {  	s4 =	simm.s32 $0x1BF5;
	[smem:$0x3FB9] =	sst s0  }
0x18: {  	s0 =	sld [smem:$0x3F9C];
	_ =	swait.ge [sflag:s4], $0x0  }
0x19: {  	s7 =	sld [smem:$0x3F9D]  }
0x1a: {  	s8 =	sadd.s32 $0xFFFFE003, lr  }
0x1b: {  	s9 =	sadd.s32 $0xFFFFFEF7, lr;
	s5 =	simm.s32 $0xFFFFFFFF;
	p2 =	slt.u32 s8, $0xFFFFF086  }
0x1c: {  	p1 =	slt.u32 s9, $0xF7A;
	s5 =	simm.s32 @!p2 $0x0  }
0x1d: {  	s5 =	simm.s32 @p1 $0x1;
	p0 =	seq.s32 s7, s2  }
0x1e: {  	s7 =	smul.u32 @!p0 $0xF7A, s2;
	p2 =	seq.s32 @!p0 s5, $0x0  }
0x1f: {  	s9 =	smul.u32 $0xF7A, s1;
	s8 =	simm.s32 @!p0 $0x1BF5;
	p2 =	por !p2, p0  }
0x20: {  	[sflag:s8] =	ssyncset.s32 @!p0 $0xFFFFF086;
	s6 =	sadd.s32 @!p0 s3, s7;
	s7 =	simm.s32 @!p0 $0x108  }
0x21: {  	s3 =	sadd.s32 s3, s9;
	s6 =	sadd.s32 @!p0 $0x88, s6;
	s7 =	simm.s32 @p2 $0x1082  }
0x22: {  	[simem:s7], [sflag:s8] =	dma.local @!p0 [hbm:s6], $0xF7A  }
0x23: {  	s9 =	sor.u32 $0xD0000000, s2;
	s6 =	simm.s32 $0x108;
	_ =	swait.ge @!p0 [sflag:s8], $0x0  }
0x24: {  	s3 =	sadd.s32 $0x88, s3;
	s6 =	simm.s32 @!p1 $0x1082;
	[sflag:s4] =	ssyncset.s32 $0xFFFFF086  }
0x25: {  	[simem:s6], [sflag:s4] =	dma.local [hbm:s3], $0xF7A  }
0x26: {  	[smem:$0x3F9D] =	sst s1;
	(tag) =	ssettag s2;
	_ =	strace s9  }
0x27: {  	s1 =	sld [smem:$0x3FAD]  }
0x28: {  	s2 =	sld [smem:$0x3FAE]  }
0x29: {  	s4 =	sld [smem:$0x3FB0]  }
0x2a: {  	p0 =	seq.s32 s5, $0x0;
	s5 =	sld [smem:$0x3FB1]  }
0x2b: {  	s6 =	sld [smem:$0x3FB2]  }
0x2c: {  	s7 =	sld [smem:$0x3FB3]  }
0x2d: {  	s3 =	simm.s32 $0x108;
	s8 =	sld [smem:$0x3FB4]  }
0x2e: {  	s3 =	simm.s32 @!p0 $0x1082;
	s9 =	sld [smem:$0x3FB5]  }
0x2f: {  	lr =	sadd.s32 s0, s3;
	s0 =	sld [smem:$0x3FAC]  }
0x30: {  	s3 =	sld [smem:$0x3FAF]  }
0x31: {  	[smem:$0x3FB8] =	sst s10  }
0x32: {  	s10 =	sld [smem:$0x3FB6];
	_ =	sdelay $0x3  }
0x33: {  	p0 =	seq.s32 s10, $0x1;
	s10 =	sld [smem:$0x3FB8];
	_ =	sdelay $0x3  }
0x34: {  	[smem:$0x3FB8] =	sst s10  }
0x35: {  	s10 =	sld [smem:$0x3FB7];
	_ =	sdelay $0x3  }
0x36: {  	p1 =	seq.s32 s10, $0x1;
	s10 =	sld [smem:$0x3FB8];
	_ =	sdelay $0x3  }
0x37: {  	[smem:$0x3FB8] =	sst s10  }
0x38: {  	s10 =	sld [smem:$0x3FB9]  }
0x39: {  	_ = 	snop;
	(pc) =	sbr.ind lr, $3  }
0x3a: {  	_ = 	snop  }
0x3b: {  	_ = 	snop  }
0x3c: {  	p2 =	seq.s32 s10, $0x1;
	s10 =	sld [smem:$0x3FB8]  }
0x3d: {  	_ =	shalt  }
0x3e: {  	_ =	shalt  }
0x3f: {  	_ =	shalt  }
0x40: {  	_ =	shalt  }
0x41: {  	_ =	shalt  }
0x42: {  	_ =	shalt  }
0x43: {  	_ =	shalt  }
0x44: {  	_ =	shalt  }
0x45: {  	_ =	shalt  }
0x46: {  	_ =	shalt  }
0x47: {  	_ =	shalt  }
0x48: {  	_ =	shalt  }
0x49: {  	_ =	shalt  }
0x4a: {  	_ =	shalt  }
0x4b: {  	_ =	shalt  }
0x4c: {  	_ =	shalt  }
0x4d: {  	_ =	shalt  }
0x4e: {  	_ =	shalt  }
0x4f: {  	_ =	shalt  }
0x50: {  	_ =	shalt  }
0x51: {  	_ =	shalt  }
0x52: {  	_ =	shalt  }
0x53: {  	_ =	shalt  }
0x54: {  	_ =	shalt  }
0x55: {  	_ =	shalt  }
0x56: {  	_ =	shalt  }
0x57: {  	_ =	shalt  }
0x58: {  	_ =	shalt  }
0x59: {  	_ =	shalt  }
0x5a: {  	_ =	shalt  }
0x5b: {  	_ =	shalt  }
0x5c: {  	_ =	shalt  }
0x5d: {  	_ =	shalt  }
0x5e: {  	_ =	shalt  }
0x5f: {  	_ =	shalt  }
0x60: {  	_ =	shalt  }
0x61: {  	_ =	shalt  }
0x62: {  	_ =	shalt  }
0x63: {  	_ =	shalt  }
0x64: {  	_ =	shalt  }
0x65: {  	_ =	shalt  }
0x66: {  	_ =	shalt  }
0x67: {  	_ =	shalt  }
0x68: {  	_ =	shalt  }
0x69: {  	_ =	shalt  }
0x6a: {  	_ =	shalt  }
0x6b: {  	_ =	shalt  }
0x6c: {  	_ =	shalt  }
0x6d: {  	_ =	shalt  }
0x6e: {  	_ =	shalt  }
0x6f: {  	_ =	shalt  }
0x70: {  	_ =	shalt  }
0x71: {  	_ =	shalt  }
0x72: {  	_ =	shalt  }
0x73: {  	_ =	shalt  }
0x74: {  	_ =	shalt  }
0x75: {  	_ =	shalt  }
0x76: {  	_ =	shalt  }
0x77: {  	_ =	shalt  }
0x78: {  	_ =	shalt  }
0x79: {  	_ =	shalt  }
0x7a: {  	_ =	shalt  }
0x7b: {  	_ =	shalt  }
0x7c: {  	_ =	shalt  }
0x7d: {  	_ =	shalt  }
0x7e: {  	_ =	shalt  }
0x7f: {  	_ =	shalt  }
0x80: {  	_ =	shalt  }
0x81: {  	_ =	shalt  }
0x82: {  	_ =	shalt  }
0x83: {  	_ =	shalt  }
0x84: {  	_ =	shalt  }
0x85: {  	_ =	shalt  }
0x86: {  	_ =	shalt  }
0x87: {  	_ =	shalt  }
.Lfunc_end0:
.L_simem_size_0:
called_computation_lowered:
.L_overlay_start_0:
0x88: {  	s2 =	sld [smem:$0x3FD9]  }
0x89: {  	s3 =	sld [smem:$0x3FFE];
	_ =	sdelay $0x1  }
0x8a: {  	s1 =	srdreg.scid  }
0x8b: {  	s0 =	sand.u32 $0x1, s1  }
0x8c: {  	s14 =	sshll.u32 s0, $0xA;
	s2 =	sadd.s32 s3, s2  }
0x8d: {  	s2 =	sadd.s32 s2, s14  }
0x8e: {  	[smem:$0x3FC4] =	sst s2  }
0x8f: {  	_ = 	snop  }
0x90: {  	s2 =	sld [smem:$0x3FD0];
	_ =	sdelay $0x1  }
0x91: {  	s15 =	sld [smem:$0x3FC9]  }
0x92: {  	s5 =	simm.s32 $0xA;
	s6 =	simm.s32 $0x10;
	s4 =	sld [smem:$0x3FC8]  }
0x93: {  	[smem:s6], [sflag:s5] =	dma.local [hbm:s2], $0x1  }
0x94: {  	_ =	swait.eq [sflag:s5], $0x1  }
0x95: {  	[sflag:s5] =	ssyncset.done $0x0  }
0x96: {  	[sflag:s5] =	ssyncadd.s32 $0xFFFFFFFF  }
0x97: {  	s16 =	sld [smem:$0x11];
	(tm) =	ssettm $0x1  }
0x98: {  	s17 =	sld [smem:$0x3FFB];
	_ =	sdelay $0x3  }
0x99: {  	_ =	strace s17  }
0x9a: {  	s5 =	sld [smem:$0x3FFC];
	_ =	sdelay $0x3  }
0x9b: {  	_ =	strace s5  }
0x9c: {  	s5 =	sld [smem:$0x3FFD];
	_ =	sdelay $0x3  }
0x9d: {  	_ =	strace s5  }
0x9e: {  	_ =	strace $0x8FFFFFFF  }
0x9f: {  	s18 =	sld [smem:$0x3FDB];
	_ =	sdelay $0x1  }
0xa0: {  	s19 =	simm.s32 $_scs_section_size  }
0xa1: {  	s7 =	simm.s32 $_size__tile_overlayer_lowered;
	s8 =	simm.s32 $_tile_overlayer_lowered  }
0xa2: {  	s22 =	simm.s32 $0x1BFF;
	s21 =	sshll.u32 s8, $0x1;
	s5 =	sadd.s32 s19, s18  }
0xa3: {  	s9 =	simm.s32 $0x0;
	s20 =	sshll.u32 s7, $0x1;
	s7 =	sadd.s32 s21, s5  }
0xa4: {  	[timem:s9], [sflag:s22] =	dma.local [hbm:s7], s20  }
0xa5: {  	_ =	swait.ge [sflag:s22], s20  }
0xa6: {  	s6 =	ssub.s32 $0x0, s20;
	[sflag:s22] =	ssyncset.done $0x0  }
0xa7: {  	[sflag:s22] =	ssyncadd.s32 s6;
	_ =	sdelay $0x1  }
0xa8: {  	s23 =	simm.s32 $0x1B8B  }
0xa9: {  	_ =	swait.ge [sflag:s23], $0x1  }
0xaa: {  	[sflag:s23] =	ssyncset.done $0x0  }
0xab: {  	s25 =	simm.s32 $0x1B8E;
	s24 =	sld [smem:$0x3FFE];
	[sflag:s23] =	ssyncadd.s32 $0xFFFFFFFF  }
0xac: {  	s26 =	simm.s32 $execute0_lowered;
	[smem:$0x3FD2] =	sst s25  }
0xad: {  	s7 =	sshll.u32 s26, $0x1;
	_ =	strace $0x80000046;
	[dreg:$0x1] =	wrdreg $0xFFFFFFFF  }
0xae: {  	s28 =	simm.s32 $_size_execute0_lowered;
	s5 =	sadd.s32 s5, s7;
	[dreg:$0x0] =	wrdreg $0x0  }
0xaf: {  	s7 =	sshll.u32 s28, $0x1;
	[dreg:$0x2] =	wrdreg s5  }
0xb0: {  	[dreg:$0x3] =	wrdreg s7  }
0xb1: {  	[dreg:$0x4] =	wrdreg $0xC0  }
0xb2: {  	_ =	task [dreg:s9], $0x5FFFF  }
0xb3: {  	[dreg:$0x1] =	wrdreg $0xFFFFFFFF  }
0xb4: {  	[dreg:$0x0] =	wrdreg $0x60  }
0xb5: {  	[dreg:$0x2] =	wrdreg s15  }
0xb6: {  	[dreg:$0x3] =	wrdreg s4  }
0xb7: {  	[dreg:$0x4] =	wrdreg s24  }
0xb8: {  	[dreg:$0x5] =	wrdreg s16  }
0xb9: {  	[dreg:$0x6] =	wrdreg $0x9  }
0xba: {  	_ =	task.clear_ibuf [dreg:s9], $0x7FFFF;
	_ =	strace $0x90000046  }
0xbb: {  	s29 =	simm.s32 $0x9;
	_ =	strace $0x80000048  }
0xbc: {  	_ =	swait.ge [sflag:s29], $0x1  }
0xbd: {  	[sflag:s29] =	ssyncadd.s32 $0xFFFFFFFF  }
0xbe: {  	_ =	strace $0x90000048  }
0xbf: {  	_ =	sfence  }
0xc0: {  	s30 =	sld [smem:$0x0];
	_ =	sdelay $0x2  }
0xc1: {  	s31 =	sshll.u32 s1, $0xD;
	s1 =	sshrl.u32 s1, $0x2  }
0xc2: {  	s3 =	sand.u32 $0x4000, s31;
	s1 =	sadd.s32 s1, s30  }
0xc3: {  	s0 =	sor.u32 s3, s0;
	s1 =	sshll.u32 s1, $0x11  }
0xc4: {  	s0 =	sor.u32 s1, s0  }
0xc5: {  	s0 =	sadd.s32 $0x8F2B, s0  }
0xc6: {  	[sflag:s0] =	ssyncadd.remote.s32 $0x1  }
0xc7: {  	_ =	sfence.sel $0xFFFF  }
0xc8: {  	[dreg:$0x0] =	wrdreg $0xFFFFFFFF;
	(pc) =	sbr.abs _section_cstart, $3  }
0xc9: {  	[dreg:$0x1] =	wrdreg $0xFFFFFFFF  }
0xca: {  	_ =	task.clear_ibuf [dreg:s9], $0x2FFFF;
	_ =	strace $0x9FFFFFFF  }
0xcb: {  	(tm) =	ssettm $0x7FFFFFFF  }
tec
execute0_lowered:
.L_overlay_start_1:
0x0: {  	(tag) =	ssettag $0x1  }
0x1: {  	s3 =	rddreg [dreg:$0x0]  }
0x2: {  	s4 =	rddreg [dreg:$0x1]  }
0x3: {  	s5 =	rddreg [dreg:$0x2]  }
0x4: {  	s6 =	rddreg [dreg:$0x3]  }
0x5: {  	s0 =	rddreg [dreg:$0x4];
	s7 =	srdreg.scid  }
0x6: {  	s2 =	simm.s32 $0x0;
	s1 =	stileid.u32;
	s10 =	simm.s32 $0x1  }
0x7: {  	s11 =	simm.s32 $0x3000;
	s12 =	simm.s32 $0x6000;
	s13 =	simm.s32 $0x7000  }
0x8: {  	s14 =	simm.s32 $0x0;
	s7 =	sand.u32 $0x1, s7;
	s8 =	sshll.u32 s1, $0xA  }
0x9: {  	[smem:$0x7FF] =	sst s2;
	s9 =	sshll.u32 s7, $0x9;
	s7 =	ssub.s32 $0x2, s7  }
0xa: {  	_ =	strace $0x80000047;
	s8 =	sor.u32 s9, s8;
	s31 =	sshrl.u32 s7, $0x1  }
0xb: {  	s9 =	simm.s32 $0x20000;
	s5 =	sadd.s32 s8, s5;
	s7 =	ssub.s32 s7, s31  }
0xc: {  	s3 =	sadd.s32 s3, s8;
	s4 =	sadd.s32 s4, s8;
	s6 =	sadd.s32 s6, s8  }
0xd: {  	v0 =	vimm.f32 $0.0e+00;
	v1 =	vlaneseq.u32;
	v2 =	vimm.f32 $1.000000000e+00;
	s8 =	simm.s32 $0x1000;
	s5 =	sadd.s32 $0x1200, s5;
	s7 =	smax.u32 s7, $0x1  }
.LBB2_1:
0xe: {  	[tilespmem:s2], [sflag:$0x1] =	stream.strided.gather [hbm4b:s3+s8], $0x3000, s9, s8, $0x38;
	[tilespmem:$0x9000] =	vst v63  }
0xf: {  	_ =	swait.ge [sflag:s10], $0x3000  }
0x10: {  	[sflag:s10] =	ssyncset.done $0x0  }
0x11: {  	[sflag:s10] =	ssyncadd.s32 $0xFFFFD000  }
0x12: {  	[tilespmem:s11], [sflag:$0x1] =	stream.strided.gather [hbm4b:s4+s8], $0x3000, s9, s8, $0x38;
	[tilespmem:$0x9000] =	vst v63  }
0x13: {  	_ =	swait.ge [sflag:s10], $0x3000  }
0x14: {  	s15 =	sand.u32 $0x70, s2;
	s16 =	sand.u32 $0xC00, s2;
	[sflag:s10] =	ssyncset.done $0x0  }
0x15: {  	s15 =	sor.u32 s15, s16;
	[sflag:s10] =	ssyncadd.s32 $0xFFFFD000  }
0x16: {  	[tilespmem:s15+$0x6080] =	vst v0  }
0x17: {  	s16 =	sor.u32 s16, s2;
	[tilespmem:s15+$0x6000] =	vst v0  }
0x18: {  	s16 =	sor.u32 $0x180, s16;
	[tilespmem:s15+$0x6100] =	vst v0  }
0x19: {  	[tilespmem:s16+$0x6000] =	vst v0  }
0x1a: {  	[tilespmem:s15+$0x6280] =	vst v0  }
0x1b: {  	s17 =	sor.u32 s2, s2;
	[tilespmem:s15+$0x6200] =	vst v0  }
0x1c: {  	s17 =	sor.u32 $0x380, s17;
	[tilespmem:s15+$0x6300] =	vst v0  }
0x1d: {  	[tilespmem:s17+$0x6000] =	vst v0  }
0x1e: {  	[tilespmem:s15+$0x7080] =	vst v0  }
0x1f: {  	[tilespmem:s15+$0x7000] =	vst v0  }
0x20: {  	[tilespmem:s15+$0x7100] =	vst v0  }
0x21: {  	[tilespmem:s16+$0x7000] =	vst v0  }
0x22: {  	[tilespmem:s15+$0x7280] =	vst v0  }
0x23: {  	[tilespmem:s15+$0x7200] =	vst v0  }
0x24: {  	[tilespmem:s15+$0x7300] =	vst v0  }
0x25: {  	[tilespmem:s17+$0x7000] =	vst v0  }
0x26: {  	[tilespmem:s15+$0x8300] =	vst v0  }
0x27: {  	[tilespmem:s15+$0x8280] =	vst v0  }
0x28: {  	[tilespmem:s15+$0x8200] =	vst v0  }
0x29: {  	[tilespmem:s15+$0x8180] =	vst v0  }
0x2a: {  	[tilespmem:s15+$0x8100] =	vst v0  }
0x2b: {  	s16 =	simm.s32 $0x80;
	s17 =	simm.s32 $0x10;
	[tilespmem:s15+$0x8080] =	vst v0  }
.LBB2_2:
0x2c: {  	s18 =	sand.u32 $0x70, s17  }
0x2d: {  	s19 =	sand.u32 $0xC00, s16;
	[tilespmem:s15+$0x8000] =	vst v0;
	s20 =	smov.u32 s17;
	s21 =	sadd.s32 $0x10, s17  }
0x2e: {  	p0 =	sne.s32 s17, $0x1F0;
	s22 =	sor.u32 s19, s20;
	[tilespmem:s15+$0x8380] =	vst v0;
	s15 =	sor.u32 s18, s19  }
0x2f: {  	[tilespmem:s15+$0x6080] =	vst v0  }
0x30: {  	[tilespmem:s15+$0x6000] =	vst v0  }
0x31: {  	s17 =	sor.u32 $0x180, s22;
	[tilespmem:s15+$0x6100] =	vst v0  }
0x32: {  	[tilespmem:s17+$0x6000] =	vst v0  }
0x33: {  	[tilespmem:s15+$0x6280] =	vst v0  }
0x34: {  	s18 =	sor.u32 s16, s20;
	[tilespmem:s15+$0x6200] =	vst v0  }
0x35: {  	s18 =	sor.u32 $0x380, s18;
	[tilespmem:s15+$0x6300] =	vst v0  }
0x36: {  	[tilespmem:s18+$0x6000] =	vst v0  }
0x37: {  	[tilespmem:s15+$0x7080] =	vst v0  }
0x38: {  	[tilespmem:s15+$0x7000] =	vst v0  }
0x39: {  	[tilespmem:s15+$0x7100] =	vst v0  }
0x3a: {  	[tilespmem:s17+$0x7000] =	vst v0  }
0x3b: {  	[tilespmem:s15+$0x7280] =	vst v0  }
0x3c: {  	[tilespmem:s15+$0x7200] =	vst v0  }
0x3d: {  	[tilespmem:s15+$0x7300] =	vst v0  }
0x3e: {  	[tilespmem:s18+$0x7000] =	vst v0  }
0x3f: {  	[tilespmem:s15+$0x8300] =	vst v0  }
.Ltmp0:
0x40: {  	[tilespmem:s15+$0x8280] =	vst v0;
	(pc) =	sbr.rel @p0 .LBB2_2-.Ltmp0, $4  }
0x41: {  	[tilespmem:s15+$0x8200] =	vst v0  }
0x42: {  	[tilespmem:s15+$0x8180] =	vst v0  }
0x43: {  	[tilespmem:s15+$0x8100] =	vst v0  }
0x44: {  	s16 =	sadd.s32 $0x80, s16;
	s17 =	smov.u32 s21;
	[tilespmem:s15+$0x8080] =	vst v0  }
0x45: {  	[tilespmem:s15+$0x8000] =	vst v0  }
0x46: {  	[tilespmem:s15+$0x8380] =	vst v0;
	s15 =	simm.s32 $0x0;
	s16 =	simm.s32 $0x0  }
.LBB2_4:
0x47: {  	s17 =	sand.u32 $0x70, s16;
	s18 =	sand.u32 $0xC00, s15  }
0x48: {  	s17 =	sor.u32 s17, s18  }
0x49: {  	v4 =	vld [tilespmem:s17+$0x0]  }
0x4a: {  	v5 =	vld [tilespmem:s17+$0x3000];
	_ =	sdelay $0x1  }
0x4b: {  	v3 =	vmov s16  }
0x4c: {  	v3 =	vshll.u32 v3, $0x3  }
0x4d: {  	v6 =	vor.u32 s16, v1;
	v3 =	vand.u32 $0xC00, v3  }
0x4e: {  	v4 =	vshll.u32 v4, $0x7;
	v7 =	vshll.u32 v5, $0x9;
	v5 =	vshll.u32 v5, $0x7  }
0x4f: {  	v8 =	vand.u32 $0x380, v4;
	v7 =	vand.u32 $0x1000, v7;
	v5 =	vand.u32 $0x380, v5  }
0x50: {  	v43 =	vand.u32 $0x7F, v6;
	v44 =	vor.u32 v8, v3;
	v5 =	vor.u32 v7, v5  }
0x51: {  	v6 =	vor.u32 v43, v44;
	v5 =	vor.u32 v3, v5  }
0x52: {  	v5 =	vor.u32 v43, v5;
	_ =	sdelay $0x3  }
0x53: {  	[tilespmem:v6+s12+$0x0] =	vst.idx.add.f32.msk $0xffff, v2  }
0x54: {  	[tilespmem:v5+s13+$0x0] =	vst.idx.add.f32.msk $0xffff, v2  }
0x55: {  	v5 =	vld [tilespmem:s17+$0x80]  }
0x56: {  	v6 =	vld [tilespmem:s17+$0x3080];
	_ =	sdelay $0x4  }
0x57: {  	v5 =	vshll.u32 v5, $0x7;
	v45 =	vshll.u32 v6, $0x9;
	v6 =	vshll.u32 v6, $0x7  }
0x58: {  	v5 =	vand.u32 $0x380, v5;
	v7 =	vand.u32 $0x1000, v45;
	v6 =	vand.u32 $0x380, v6  }
0x59: {  	v5 =	vor.u32 v5, v3;
	v6 =	vor.u32 v7, v6  }
0x5a: {  	v5 =	vor.u32 v43, v5;
	v6 =	vor.u32 v3, v6  }
0x5b: {  	v6 =	vor.u32 v43, v6;
	_ =	sdelay $0x3  }
0x5c: {  	[tilespmem:v5+s12+$0x0] =	vst.idx.add.f32.msk $0xffff, v2  }
0x5d: {  	[tilespmem:v6+s13+$0x0] =	vst.idx.add.f32.msk $0xffff, v2  }
0x5e: {  	v5 =	vld [tilespmem:s17+$0x100]  }
0x5f: {  	v6 =	vld [tilespmem:s17+$0x3100];
	_ =	sdelay $0x4  }
0x60: {  	v5 =	vshll.u32 v5, $0x7;
	v46 =	vshll.u32 v6, $0x9;
	v6 =	vshll.u32 v6, $0x7  }
0x61: {  	v5 =	vand.u32 $0x380, v5;
	v7 =	vand.u32 $0x1000, v46;
	v6 =	vand.u32 $0x380, v6  }
0x62: {  	v5 =	vor.u32 v5, v3;
	v6 =	vor.u32 v7, v6  }
0x63: {  	v5 =	vor.u32 v43, v5;
	v6 =	vor.u32 v3, v6  }
0x64: {  	v6 =	vor.u32 v43, v6;
	_ =	sdelay $0x2  }
0x65: {  	s28 =	sand.u32 $0xFFFFFC00, s15  }
0x66: {  	s18 =	sadd.s32 s28, s16;
	[tilespmem:v5+s12+$0x0] =	vst.idx.add.f32.msk $0xffff, v2  }
0x67: {  	s19 =	sor.u32 $0x180, s18;
	[tilespmem:v6+s13+$0x0] =	vst.idx.add.f32.msk $0xffff, v2  }
0x68: {  	v5 =	vld [tilespmem:s19+$0x0]  }
0x69: {  	v6 =	vld [tilespmem:s19+$0x3000];
	_ =	sdelay $0x4  }
0x6a: {  	v5 =	vshll.u32 v5, $0x7;
	v47 =	vshll.u32 v6, $0x9;
	v6 =	vshll.u32 v6, $0x7  }
0x6b: {  	v5 =	vand.u32 $0x380, v5;
	v7 =	vand.u32 $0x1000, v47;
	v6 =	vand.u32 $0x380, v6  }
0x6c: {  	v5 =	vor.u32 v5, v3;
	v6 =	vor.u32 v7, v6  }
0x6d: {  	v5 =	vor.u32 v43, v5;
	v6 =	vor.u32 v3, v6  }
0x6e: {  	v6 =	vor.u32 v43, v6;
	_ =	sdelay $0x3  }
0x6f: {  	[tilespmem:v5+s12+$0x0] =	vst.idx.add.f32.msk $0xffff, v2  }
0x70: {  	[tilespmem:v6+s13+$0x0] =	vst.idx.add.f32.msk $0xffff, v2  }
0x71: {  	v5 =	vld [tilespmem:s17+$0x200]  }
0x72: {  	v6 =	vld [tilespmem:s17+$0x3200];
	_ =	sdelay $0x4  }
0x73: {  	v5 =	vshll.u32 v5, $0x7;
	v48 =	vshll.u32 v6, $0x9;
	v6 =	vshll.u32 v6, $0x7  }
0x74: {  	v5 =	vand.u32 $0x380, v5;
	v7 =	vand.u32 $0x1000, v48;
	v6 =	vand.u32 $0x380, v6  }
0x75: {  	v5 =	vor.u32 v5, v3;
	v6 =	vor.u32 v7, v6  }
0x76: {  	v5 =	vor.u32 v43, v5;
	v6 =	vor.u32 v3, v6  }
0x77: {  	v6 =	vor.u32 v43, v6;
	_ =	sdelay $0x3  }
0x78: {  	[tilespmem:v5+s12+$0x0] =	vst.idx.add.f32.msk $0xffff, v2  }
0x79: {  	[tilespmem:v6+s13+$0x0] =	vst.idx.add.f32.msk $0xffff, v2  }
0x7a: {  	v5 =	vld [tilespmem:s17+$0x280]  }
0x7b: {  	v6 =	vld [tilespmem:s17+$0x3280];
	_ =	sdelay $0x4  }
0x7c: {  	v5 =	vshll.u32 v5, $0x7;
	v49 =	vshll.u32 v6, $0x9;
	v6 =	vshll.u32 v6, $0x7  }
0x7d: {  	v5 =	vand.u32 $0x380, v5;
	v7 =	vand.u32 $0x1000, v49;
	v6 =	vand.u32 $0x380, v6  }
0x7e: {  	v5 =	vor.u32 v5, v3;
	v6 =	vor.u32 v7, v6  }
0x7f: {  	v5 =	vor.u32 v43, v5;
	v6 =	vor.u32 v3, v6  }
0x80: {  	v6 =	vor.u32 v43, v6;
	_ =	sdelay $0x3  }
0x81: {  	[tilespmem:v5+s12+$0x0] =	vst.idx.add.f32.msk $0xffff, v2  }
0x82: {  	[tilespmem:v6+s13+$0x0] =	vst.idx.add.f32.msk $0xffff, v2  }
0x83: {  	v5 =	vld [tilespmem:s17+$0x300]  }
0x84: {  	v6 =	vld [tilespmem:s17+$0x3300];
	_ =	sdelay $0x4  }
0x85: {  	v5 =	vshll.u32 v5, $0x7;
	v50 =	vshll.u32 v6, $0x9;
	v6 =	vshll.u32 v6, $0x7  }
0x86: {  	v5 =	vand.u32 $0x380, v5;
	v7 =	vand.u32 $0x1000, v50;
	v6 =	vand.u32 $0x380, v6  }
0x87: {  	v5 =	vor.u32 v5, v3;
	v6 =	vor.u32 v7, v6  }
0x88: {  	v5 =	vor.u32 v43, v5;
	v6 =	vor.u32 v3, v6  }
0x89: {  	v6 =	vor.u32 v43, v6;
	_ =	sdelay $0x3  }
0x8a: {  	s29 =	sor.u32 s16, s15;
	[tilespmem:v5+s12+$0x0] =	vst.idx.add.f32.msk $0xffff, v2  }
0x8b: {  	s20 =	sor.u32 $0x380, s29;
	[tilespmem:v6+s13+$0x0] =	vst.idx.add.f32.msk $0xffff, v2  }
0x8c: {  	v5 =	vld [tilespmem:s20+$0x0]  }
0x8d: {  	v6 =	vld [tilespmem:s20+$0x3000];
	_ =	sdelay $0x4  }
0x8e: {  	v5 =	vshll.u32 v5, $0x7;
	v51 =	vshll.u32 v6, $0x9;
	v6 =	vshll.u32 v6, $0x7  }
0x8f: {  	v5 =	vand.u32 $0x380, v5;
	v7 =	vand.u32 $0x1000, v51;
	v6 =	vand.u32 $0x380, v6  }
0x90: {  	v5 =	vor.u32 v5, v3;
	v6 =	vor.u32 v7, v6  }
0x91: {  	v5 =	vor.u32 v43, v5;
	v6 =	vor.u32 v3, v6  }
0x92: {  	v6 =	vor.u32 v43, v6;
	_ =	sdelay $0x3  }
0x93: {  	[tilespmem:v5+s12+$0x0] =	vst.idx.add.f32.msk $0xffff, v2  }
0x94: {  	[tilespmem:v6+s13+$0x0] =	vst.idx.add.f32.msk $0xffff, v2  }
0x95: {  	v5 =	vld [tilespmem:s17+$0x1000]  }
0x96: {  	v6 =	vld [tilespmem:s17+$0x4000];
	_ =	sdelay $0x4  }
0x97: {  	v5 =	vshll.u32 v5, $0x7;
	v52 =	vshll.u32 v6, $0x9;
	v6 =	vshll.u32 v6, $0x7  }
0x98: {  	v5 =	vand.u32 $0x380, v5;
	v7 =	vand.u32 $0x1000, v52;
	v6 =	vand.u32 $0x380, v6  }
0x99: {  	v5 =	vor.u32 v5, v3;
	v6 =	vor.u32 v7, v6  }
0x9a: {  	v5 =	vor.u32 v43, v5;
	v6 =	vor.u32 v3, v6  }
0x9b: {  	v6 =	vor.u32 v43, v6;
	_ =	sdelay $0x3  }
0x9c: {  	[tilespmem:v5+s12+$0x0] =	vst.idx.add.f32.msk $0xffff, v2  }
0x9d: {  	[tilespmem:v6+s13+$0x0] =	vst.idx.add.f32.msk $0xffff, v2  }
0x9e: {  	v5 =	vld [tilespmem:s17+$0x1080]  }
0x9f: {  	v6 =	vld [tilespmem:s17+$0x4080];
	_ =	sdelay $0x4  }
0xa0: {  	v5 =	vshll.u32 v5, $0x7;
	v53 =	vshll.u32 v6, $0x9;
	v6 =	vshll.u32 v6, $0x7  }
0xa1: {  	v5 =	vand.u32 $0x380, v5;
	v7 =	vand.u32 $0x1000, v53;
	v6 =	vand.u32 $0x380, v6  }
0xa2: {  	v5 =	vor.u32 v5, v3;
	v6 =	vor.u32 v7, v6  }
0xa3: {  	v5 =	vor.u32 v43, v5;
	v6 =	vor.u32 v3, v6  }
0xa4: {  	v6 =	vor.u32 v43, v6;
	_ =	sdelay $0x3  }
0xa5: {  	[tilespmem:v5+s12+$0x0] =	vst.idx.add.f32.msk $0xffff, v2  }
0xa6: {  	[tilespmem:v6+s13+$0x0] =	vst.idx.add.f32.msk $0xffff, v2  }
0xa7: {  	v5 =	vld [tilespmem:s17+$0x1100]  }
0xa8: {  	v6 =	vld [tilespmem:s17+$0x4100];
	_ =	sdelay $0x4  }
0xa9: {  	v5 =	vshll.u32 v5, $0x7;
	v54 =	vshll.u32 v6, $0x9;
	v6 =	vshll.u32 v6, $0x7  }
0xaa: {  	v5 =	vand.u32 $0x380, v5;
	v7 =	vand.u32 $0x1000, v54;
	v6 =	vand.u32 $0x380, v6  }
0xab: {  	v5 =	vor.u32 v5, v3;
	v6 =	vor.u32 v7, v6  }
0xac: {  	v5 =	vor.u32 v43, v5;
	v6 =	vor.u32 v3, v6  }
0xad: {  	v6 =	vor.u32 v43, v6;
	_ =	sdelay $0x3  }
0xae: {  	[tilespmem:v5+s12+$0x0] =	vst.idx.add.f32.msk $0xffff, v2  }
0xaf: {  	s30 =	sor.u32 $0x1180, s18;
	[tilespmem:v6+s13+$0x0] =	vst.idx.add.f32.msk $0xffff, v2  }
0xb0: {  	v5 =	vld [tilespmem:s30+$0x0]  }
0xb1: {  	v6 =	vld [tilespmem:s30+$0x3000];
	_ =	sdelay $0x4  }
0xb2: {  	v5 =	vshll.u32 v5, $0x7;
	v55 =	vshll.u32 v6, $0x9;
	v6 =	vshll.u32 v6, $0x7  }
0xb3: {  	v5 =	vand.u32 $0x380, v5;
	v7 =	vand.u32 $0x1000, v55;
	v6 =	vand.u32 $0x380, v6  }
0xb4: {  	v5 =	vor.u32 v5, v3;
	v6 =	vor.u32 v7, v6  }
0xb5: {  	v5 =	vor.u32 v43, v5;
	v6 =	vor.u32 v3, v6  }
0xb6: {  	v6 =	vor.u32 v43, v6;
	_ =	sdelay $0x3  }
0xb7: {  	[tilespmem:v5+s12+$0x0] =	vst.idx.add.f32.msk $0xffff, v2  }
0xb8: {  	[tilespmem:v6+s13+$0x0] =	vst.idx.add.f32.msk $0xffff, v2  }
0xb9: {  	v5 =	vld [tilespmem:s17+$0x1200]  }
0xba: {  	v6 =	vld [tilespmem:s17+$0x4200];
	_ =	sdelay $0x4  }
0xbb: {  	v5 =	vshll.u32 v5, $0x7;
	v56 =	vshll.u32 v6, $0x9;
	v6 =	vshll.u32 v6, $0x7  }
0xbc: {  	v5 =	vand.u32 $0x380, v5;
	v7 =	vand.u32 $0x1000, v56;
	v6 =	vand.u32 $0x380, v6  }
0xbd: {  	v5 =	vor.u32 v5, v3;
	v6 =	vor.u32 v7, v6  }
0xbe: {  	v5 =	vor.u32 v43, v5;
	v6 =	vor.u32 v3, v6  }
0xbf: {  	v6 =	vor.u32 v43, v6;
	_ =	sdelay $0x3  }
0xc0: {  	[tilespmem:v5+s12+$0x0] =	vst.idx.add.f32.msk $0xffff, v2  }
0xc1: {  	[tilespmem:v6+s13+$0x0] =	vst.idx.add.f32.msk $0xffff, v2  }
0xc2: {  	v5 =	vld [tilespmem:s17+$0x1280]  }
0xc3: {  	v6 =	vld [tilespmem:s17+$0x4280];
	_ =	sdelay $0x4  }
0xc4: {  	v5 =	vshll.u32 v5, $0x7;
	v57 =	vshll.u32 v6, $0x9;
	v6 =	vshll.u32 v6, $0x7  }
0xc5: {  	v5 =	vand.u32 $0x380, v5;
	v7 =	vand.u32 $0x1000, v57;
	v6 =	vand.u32 $0x380, v6  }
0xc6: {  	v5 =	vor.u32 v5, v3;
	v6 =	vor.u32 v7, v6  }
0xc7: {  	v5 =	vor.u32 v43, v5;
	v6 =	vor.u32 v3, v6  }
0xc8: {  	v6 =	vor.u32 v43, v6;
	_ =	sdelay $0x3  }
0xc9: {  	[tilespmem:v5+s12+$0x0] =	vst.idx.add.f32.msk $0xffff, v2  }
0xca: {  	[tilespmem:v6+s13+$0x0] =	vst.idx.add.f32.msk $0xffff, v2  }
0xcb: {  	v5 =	vld [tilespmem:s17+$0x1300]  }
0xcc: {  	v6 =	vld [tilespmem:s17+$0x4300];
	_ =	sdelay $0x4  }
0xcd: {  	v5 =	vshll.u32 v5, $0x7;
	v58 =	vshll.u32 v6, $0x9;
	v6 =	vshll.u32 v6, $0x7  }
0xce: {  	v5 =	vand.u32 $0x380, v5;
	v7 =	vand.u32 $0x1000, v58;
	v6 =	vand.u32 $0x380, v6  }
0xcf: {  	v5 =	vor.u32 v5, v3;
	v6 =	vor.u32 v7, v6  }
0xd0: {  	v5 =	vor.u32 v43, v5;
	v6 =	vor.u32 v3, v6  }
0xd1: {  	v6 =	vor.u32 v43, v6;
	_ =	sdelay $0x3  }
0xd2: {  	[tilespmem:v5+s12+$0x0] =	vst.idx.add.f32.msk $0xffff, v2  }
0xd3: {  	s19 =	sor.u32 $0x1380, s29;
	[tilespmem:v6+s13+$0x0] =	vst.idx.add.f32.msk $0xffff, v2  }
0xd4: {  	v5 =	vld [tilespmem:s19+$0x0]  }
0xd5: {  	v6 =	vld [tilespmem:s19+$0x3000];
	_ =	sdelay $0x4  }
0xd6: {  	v5 =	vshll.u32 v5, $0x7;
	v59 =	vshll.u32 v6, $0x9;
	v6 =	vshll.u32 v6, $0x7  }
0xd7: {  	v5 =	vand.u32 $0x380, v5;
	v7 =	vand.u32 $0x1000, v59;
	v6 =	vand.u32 $0x380, v6  }
0xd8: {  	v5 =	vor.u32 v5, v3;
	v6 =	vor.u32 v7, v6  }
0xd9: {  	v5 =	vor.u32 v43, v5;
	v6 =	vor.u32 v3, v6  }
0xda: {  	v6 =	vor.u32 v43, v6;
	_ =	sdelay $0x3  }
0xdb: {  	[tilespmem:v5+s12+$0x0] =	vst.idx.add.f32.msk $0xffff, v2  }
0xdc: {  	[tilespmem:v6+s13+$0x0] =	vst.idx.add.f32.msk $0xffff, v2  }
0xdd: {  	v5 =	vld [tilespmem:s17+$0x2000]  }
0xde: {  	v6 =	vld [tilespmem:s17+$0x5000];
	_ =	sdelay $0x4  }
0xdf: {  	v5 =	vshll.u32 v5, $0x7;
	v60 =	vshll.u32 v6, $0x9;
	v6 =	vshll.u32 v6, $0x7  }
0xe0: {  	v5 =	vand.u32 $0x380, v5;
	v7 =	vand.u32 $0x1000, v60;
	v6 =	vand.u32 $0x380, v6  }
0xe1: {  	v5 =	vor.u32 v5, v3;
	v6 =	vor.u32 v7, v6  }
0xe2: {  	v5 =	vor.u32 v43, v5;
	v6 =	vor.u32 v3, v6  }
0xe3: {  	v6 =	vor.u32 v43, v6;
	_ =	sdelay $0x3  }
0xe4: {  	[tilespmem:v5+s12+$0x0] =	vst.idx.add.f32.msk $0xffff, v2  }
0xe5: {  	[tilespmem:v6+s13+$0x0] =	vst.idx.add.f32.msk $0xffff, v2  }
0xe6: {  	v5 =	vld [tilespmem:s17+$0x2080]  }
0xe7: {  	v6 =	vld [tilespmem:s17+$0x5080];
	_ =	sdelay $0x4  }
0xe8: {  	v5 =	vshll.u32 v5, $0x7;
	v61 =	vshll.u32 v6, $0x9;
	v6 =	vshll.u32 v6, $0x7  }
0xe9: {  	v5 =	vand.u32 $0x380, v5;
	v7 =	vand.u32 $0x1000, v61;
	v6 =	vand.u32 $0x380, v6  }
0xea: {  	v5 =	vor.u32 v5, v3;
	v6 =	vor.u32 v7, v6  }
0xeb: {  	v5 =	vor.u32 v43, v5;
	v6 =	vor.u32 v3, v6  }
0xec: {  	v6 =	vor.u32 v43, v6;
	_ =	sdelay $0x3  }
0xed: {  	[tilespmem:v5+s12+$0x0] =	vst.idx.add.f32.msk $0xffff, v2  }
0xee: {  	[tilespmem:v6+s13+$0x0] =	vst.idx.add.f32.msk $0xffff, v2  }
0xef: {  	v5 =	vld [tilespmem:s17+$0x2100]  }
0xf0: {  	v6 =	vld [tilespmem:s17+$0x5100];
	_ =	sdelay $0x4  }
0xf1: {  	v5 =	vshll.u32 v5, $0x7;
	v62 =	vshll.u32 v6, $0x9;
	v6 =	vshll.u32 v6, $0x7  }
0xf2: {  	v5 =	vand.u32 $0x380, v5;
	v7 =	vand.u32 $0x1000, v62;
	v6 =	vand.u32 $0x380, v6  }
0xf3: {  	v5 =	vor.u32 v5, v3;
	v6 =	vor.u32 v7, v6  }
0xf4: {  	v5 =	vor.u32 v43, v5;
	v6 =	vor.u32 v3, v6  }
0xf5: {  	v6 =	vor.u32 v43, v6;
	_ =	sdelay $0x3  }
0xf6: {  	[tilespmem:v5+s12+$0x0] =	vst.idx.add.f32.msk $0xffff, v2  }
0xf7: {  	s31 =	sor.u32 $0x2180, s18;
	[tilespmem:v6+s13+$0x0] =	vst.idx.add.f32.msk $0xffff, v2  }
0xf8: {  	v5 =	vld [tilespmem:s31+$0x0]  }
0xf9: {  	v6 =	vld [tilespmem:s31+$0x3000];
	_ =	sdelay $0x4  }
0xfa: {  	v5 =	vshll.u32 v5, $0x7;
	v63 =	vshll.u32 v6, $0x9;
	v6 =	vshll.u32 v6, $0x7  }
0xfb: {  	v5 =	vand.u32 $0x380, v5;
	v7 =	vand.u32 $0x1000, v63;
	v6 =	vand.u32 $0x380, v6  }
0xfc: {  	v6 =	vor.u32 v7, v6;
	v5 =	vor.u32 v5, v3  }
0xfd: {  	v5 =	vor.u32 v43, v5;
	v3 =	vor.u32 v3, v6  }
0xfe: {  	p0 =	sne.s32 s16, $0x1F0;
	v3 =	vor.u32 v43, v3  }
.Ltmp1:
0xff: {  	_ = 	snop;
	(pc) =	sbr.rel @p0 .LBB2_4-.Ltmp1, $3  }
0x100: {  	_ =	sdelay $0x1  }
0x101: {  	[tilespmem:v5+s12+$0x0] =	vst.idx.add.f32.msk $0xffff, v2  }
0x102: {  	s15 =	sadd.s32 $0x80, s15;
	s16 =	sadd.s32 $0x10, s16;
	[tilespmem:v3+s13+$0x0] =	vst.idx.add.f32.msk $0xffff, v2  }
0x103: {  	[hbm4b:s5+s2] =	stream.linear.scatter [tilespmem:s12], [sflag:$0x1], $0x1000, $0x38;
	[tilespmem:$0x9000] =	vst v63  }
0x104: {  	s14 =	sadd.s32 $0x1, s14;
	_ =	swait.ge [sflag:s10], $0x1000  }
0x105: {  	p0 =	sne.s32 s14, s7;
	[sflag:s10] =	ssyncset.done $0x0  }
.Ltmp2:
0x106: {  	[sflag:s10] =	ssyncadd.s32 $0xFFFFF000;
	(pc) =	sbr.rel @p0 .LBB2_1-.Ltmp2, $4  }
0x107: {  	[hbm4b:s6+s8] =	stream.strided.scatter [tilespmem:s13], [sflag:$0x1], $0x2000, s9, s8, $0x38;
	[tilespmem:$0x9000] =	vst v63  }
0x108: {  	_ =	swait.ge [sflag:s10], $0x2000  }
0x109: {  	[sflag:s10] =	ssyncset.done $0x0  }
0x10a: {  	[sflag:s10] =	ssyncadd.s32 $0xFFFFE000  }
0x10b: {  	_ =	sfence.sel $0x180000  }
0x10c: {  	[bflag:$0x0] =	sbarrier.arrive $0xFFFF  }
0x10d: {  	p0 =	sne.s32 s1, $0x0;
	_ =	strace $0x90000047  }
0x10e: {  	s0 =	sadd.s32 @!p0 $0x100000, s0;
	[bflag:$0x2] =	sbarrier.arrive $0xFFFF  }
0x10f: {  	[sflag:s0] =	ssyncadd.tile.s32 @!p0 $0x1;
	_ =	shalt  }
.Lfunc_end2:
_tile_overlayer_lowered:
.L_overlay_start_2:
0x110: {  	(tag) =	ssettag $0x2  }
0x111: {  	s0 =	rddreg [dreg:$0x0];
	s2 =	stileid.u32  }
0x112: {  	s1 =	rddreg [dreg:$0x1];
	p0 =	sne.s32 s2, $0x0  }
0x113: {  	s3 =	rddreg [dreg:$0x2];
	[bflag:$0x3] =	sbarrier.arrive $0xFFFF;
	s2 =	simm.s32 @!p0 $0x1C01  }
0x114: {  	[timem:s3], [sflag:s2] =	dma.local @!p0 [hbm:s0], s1  }
0x115: {  	s0 =	simm.s32 @!p0 $0x1  }
0x116: {  	_ =	swait.ge @!p0 [sflag:s0], s1  }
0x117: {  	s1 =	ssub.s32 @!p0 $0x0, s1;
	[sflag:s0] =	ssyncset.done @!p0 $0x0  }
0x118: {  	[sflag:s0] =	ssyncadd.s32 @!p0 s1  }
0x119: {  	[bflag:$0x3] =	sbarrier.arrive $0xFFFF  }
0x11a: {  	_ =	shalt  }

</sc_bundles>
